<compile_context>
chip_gen: v7x
topology: tpu7x:2x2x1
jax: 0.10.2.dev20260603
libtpu: 0.0.44.dev20260713+nightly
codegen_flags: <defaults>
</compile_context>

<pallas_src>
import functools

import jax
import jax.numpy as jnp
from jax import lax
from jax.experimental import pallas as pl
from jax.experimental.pallas import tpu as pltpu
from jax.experimental.pallas import tpu_sc as plsc

N_POINTS = 16384
N_SAMPLE = 8192
RADIUS = 0.2
K = 32
HIDDEN = 64
OUT = 128

QBLK = 256


FPS_R = 128
FPS_C = 128


def _fps_kernel(xs_ref, ys_ref, zs_ref, xsm_ref, ysm_ref, zsm_ref, sel_ref):
    rows = jax.lax.broadcasted_iota(jnp.int32, (FPS_R, FPS_C), 0)
    cols = jax.lax.broadcasted_iota(jnp.int32, (FPS_R, FPS_C), 1)
    lin = rows * FPS_C + cols
    xs = xs_ref[...]
    ys = ys_ref[...]
    zs = zs_ref[...]
    sel_ref[0] = 0

    def step(i, last, dists):
        px = xsm_ref[last]
        py = ysm_ref[last]
        pz = zsm_ref[last]
        dx = xs - px
        dy = ys - py
        dz = zs - pz
        d = (dx * dx + dz * dz) + dy * dy
        dists = jnp.minimum(dists, d)
        m = jnp.max(dists)
        nxt = jnp.min(jnp.where(dists == m, lin, jnp.int32(N_POINTS)))

        @pl.when(i < N_SAMPLE)
        def _():
            sel_ref[i] = nxt

        return nxt, dists

    def body(t, state):
        last, dists = state
        last, dists = step(2 * t + 1, last, dists)
        last, dists = step(2 * t + 2, last, dists)
        return (last, dists)

    dists0 = jnp.full((FPS_R, FPS_C), jnp.inf, dtype=jnp.float32)
    jax.lax.fori_loop(0, N_SAMPLE // 2, body, (jnp.int32(0), dists0))


def _fps(pos, n_sample):
    xs = pos[:, 0].reshape(FPS_R, FPS_C)
    ys = pos[:, 1].reshape(FPS_R, FPS_C)
    zs = pos[:, 2].reshape(FPS_R, FPS_C)
    return pl.pallas_call(
        _fps_kernel,
        in_specs=[
            pl.BlockSpec(memory_space=pltpu.VMEM),
            pl.BlockSpec(memory_space=pltpu.VMEM),
            pl.BlockSpec(memory_space=pltpu.VMEM),
            pl.BlockSpec(memory_space=pltpu.SMEM),
            pl.BlockSpec(memory_space=pltpu.SMEM),
            pl.BlockSpec(memory_space=pltpu.SMEM),
        ],
        out_specs=pl.BlockSpec(memory_space=pltpu.SMEM),
        out_shape=jax.ShapeDtypeStruct((n_sample,), jnp.int32),
    )(xs, ys, zs, pos[:, 0], pos[:, 1], pos[:, 2])


QB = 64
DEPTH = 5
NCH = 128
CL = 128
R2 = RADIUS * RADIUS
BIGI = N_POINTS
INF = float("inf")


def _select_kernel(qx_ref, qy_ref, qz_ref, xs_ref, ys_ref, zs_ref,
                   nbr_ref, val_ref):
    qx = qx_ref[...].reshape(QB, 1, 1)
    qy = qy_ref[...].reshape(QB, 1, 1)
    qz = qz_ref[...].reshape(QB, 1, 1)
    xs = xs_ref[...].reshape(1, NCH, CL)
    ys = ys_ref[...].reshape(1, NCH, CL)
    zs = zs_ref[...].reshape(1, NCH, CL)

    lane3 = jax.lax.broadcasted_iota(jnp.int32, (QB, NCH, CL), 2)
    chunk2 = jax.lax.broadcasted_iota(jnp.int32, (QB, NCH), 1)
    lane32 = jax.lax.broadcasted_iota(jnp.int32, (QB, K), 1)

    def d2_full():
        dx = qx - xs
        dy = qy - ys
        dz = qz - zs
        return (dx * dx + dy * dy) + dz * dz

    D = d2_full()
    vals_l, idxs_l = [], []
    for _ in range(DEPTH):
        m = jnp.min(D, axis=2)
        eq = D == m[:, :, None]
        jl = jnp.min(jnp.where(eq, lane3, BIGI), axis=2)
        D = jnp.where(lane3 == jl[:, :, None], INF, D)
        vals_l.append(m)
        idxs_l.append(chunk2 * CL + jl)
    vals = jnp.stack(vals_l, axis=1)
    idxs = jnp.stack(idxs_l, axis=1)
    vlast = vals_l[-1]

    def p2_body(t, state):
        v, nbr, val, _ = state
        m2 = jnp.min(v, axis=(1, 2))
        eq = v == m2[:, None, None]
        j = jnp.min(jnp.where(eq, idxs, BIGI), axis=(1, 2))
        v = jnp.where(eq & (idxs == j[:, None, None]), INF, v)
        nbr = jnp.where(lane32 == t, j[:, None], nbr)
        ok = (m2 <= R2).astype(jnp.int32)
        val = jnp.where(lane32 == t, ok[:, None], val)
        return (v, nbr, val, m2)

    nbr0 = jnp.zeros((QB, K), jnp.int32)
    val0 = jnp.zeros((QB, K), jnp.int32)
    _, nbr, val, t32 = jax.lax.fori_loop(
        0, K, p2_body, (vals, nbr0, val0, jnp.zeros((QB,), jnp.float32)))
    nbr_ref[...] = nbr
    val_ref[...] = val

    unsafe = jnp.any(vlast <= t32[:, None])

    @pl.when(unsafe)
    def _fallback():
        lin = chunk2[:, :, None] * CL + lane3
        Df = d2_full()

        def fb_body(t, state):
            Dc, nbr, val = state
            m2 = jnp.min(Dc, axis=(1, 2))
            eq = Dc == m2[:, None, None]
            j = jnp.min(jnp.where(eq, lin, BIGI), axis=(1, 2))
            Dc = jnp.where(lin == j[:, None, None], INF, Dc)
            nbr = jnp.where(lane32 == t, j[:, None], nbr)
            ok = (m2 <= R2).astype(jnp.int32)
            val = jnp.where(lane32 == t, ok[:, None], val)
            return (Dc, nbr, val)

        _, nbr_f, val_f = jax.lax.fori_loop(0, K, fb_body, (Df, nbr0, val0))
        nbr_ref[...] = nbr_f
        val_ref[...] = val_f


def _radius_query(pos, q, r, k):
    s = q.shape[0]
    qx = q[:, 0].reshape(s, 1)
    qy = q[:, 1].reshape(s, 1)
    qz = q[:, 2].reshape(s, 1)
    xs = pos[:, 0].reshape(NCH, CL)
    ys = pos[:, 1].reshape(NCH, CL)
    zs = pos[:, 2].reshape(NCH, CL)
    grid = s // QB
    nbr, val = pl.pallas_call(
        _select_kernel,
        grid=(grid,),
        in_specs=[
            pl.BlockSpec((QB, 1), lambda i: (i, 0)),
            pl.BlockSpec((QB, 1), lambda i: (i, 0)),
            pl.BlockSpec((QB, 1), lambda i: (i, 0)),
            pl.BlockSpec((NCH, CL), lambda i: (0, 0)),
            pl.BlockSpec((NCH, CL), lambda i: (0, 0)),
            pl.BlockSpec((NCH, CL), lambda i: (0, 0)),
        ],
        out_specs=[
            pl.BlockSpec((QB, K), lambda i: (i, 0)),
            pl.BlockSpec((QB, K), lambda i: (i, 0)),
        ],
        out_shape=[
            jax.ShapeDtypeStruct((s, k), jnp.int32),
            jax.ShapeDtypeStruct((s, k), jnp.int32),
        ],
    )(qx, qy, qz, xs, ys, zs)
    return nbr, val != 0


PADW = 128
E = N_SAMPLE * K
SC_CHUNK = 512


def _sc_gather(pos16, col):
    info = plsc.get_sparse_core_info()
    nw = info.num_cores * info.num_subcores
    b_per_w = E // nw
    nch = b_per_w // SC_CHUNK
    mesh = plsc.VectorSubcoreMesh(core_axis_name="c", subcore_axis_name="s")

    @functools.partial(
        pl.kernel, mesh=mesh,
        out_type=jax.ShapeDtypeStruct((E, PADW), jnp.float32),
        scratch_types=[
            pltpu.VMEM((SC_CHUNK,), jnp.int32),
            pltpu.VMEM((SC_CHUNK, PADW), jnp.float32),
            pltpu.SemaphoreType.DMA,
        ],
    )
    def k(table_hbm, idx_hbm, out_hbm, idx_v, rows_v, sem):
        wid = lax.axis_index("s") * info.num_cores + lax.axis_index("c")
        base = wid * b_per_w
        for ch in range(nch):
            off = base + ch * SC_CHUNK
            pltpu.sync_copy(idx_hbm.at[pl.ds(off, SC_CHUNK)], idx_v)
            pltpu.async_copy(table_hbm.at[idx_v], rows_v, sem).wait()
            pltpu.sync_copy(rows_v, out_hbm.at[pl.ds(off, SC_CHUNK)])

    return k(pos16, col)


def _edge_kernel(relj_ref, reli_ref, mask_ref, w1_ref, b1_ref, w2_ref, b2_ref,
                 out_ref):
    rel = relj_ref[:, :3] - reli_ref[...]
    h = jnp.maximum(rel @ w1_ref[...] + b1_ref[...], 0.0)
    msg = h @ w2_ref[...] + b2_ref[...]
    neg = jnp.float32(-jnp.inf)
    msg = jnp.where(mask_ref[...], msg, neg)
    msg = msg.reshape(QBLK, K, OUT)
    red = jnp.max(msg, axis=1)
    out_ref[...] = jnp.where(jnp.isfinite(red), red, 0.0)


def kernel(pos, batch, W1, b1, W2, b2):
    idx = _fps(pos, N_SAMPLE)
    q = pos[idx]
    nbr, valid = _radius_query(pos, q, RADIUS, K)

    col = nbr.reshape(-1)
    pos16 = jnp.pad(pos, ((0, 0), (0, PADW - 3)))
    posj = _sc_gather(pos16, col)
    posi = jnp.repeat(pos[:N_SAMPLE], K, axis=0)
    mask = valid.reshape(-1, 1)

    grid = N_SAMPLE // QBLK
    out_top = pl.pallas_call(
        _edge_kernel,
        grid=(grid,),
        in_specs=[
            pl.BlockSpec((QBLK * K, PADW), lambda i: (i, 0)),
            pl.BlockSpec((QBLK * K, 3), lambda i: (i, 0)),
            pl.BlockSpec((QBLK * K, 1), lambda i: (i, 0)),
            pl.BlockSpec((3, HIDDEN), lambda i: (0, 0)),
            pl.BlockSpec((HIDDEN,), lambda i: (0,)),
            pl.BlockSpec((HIDDEN, OUT), lambda i: (0, 0)),
            pl.BlockSpec((OUT,), lambda i: (0,)),
        ],
        out_specs=pl.BlockSpec((QBLK, OUT), lambda i: (i, 0)),
        out_shape=jax.ShapeDtypeStruct((N_SAMPLE, OUT), jnp.float32),
    )(posj, posi, mask, W1, b1, W2, b2)

    return jnp.concatenate(
        [out_top, jnp.zeros((N_POINTS - N_SAMPLE, OUT), jnp.float32)], axis=0)

# --- scband reference (transcript-rebuilt; emitter-appended) ---
"""Pipeline reference for scband-point-net-module-1305670058590 (READ-ONLY COPY).

The authoritative reference and input builder live on the scoring server;
editing this copy changes nothing except your own understanding.
"""

import jax, jax.numpy as jnp
import numpy as np

N = 16384
FPS_RATIO = 0.5
RADIUS = 0.2
MAX_NEIGHBORS = 32
HIDDEN = 64
OUT = 128


def setup_inputs(seed: int = 0) -> dict:
    key = jax.random.key(seed)
    k1, k2, k3 = jax.random.split(key, 3)
    pos = jax.random.uniform(k1, (N, 3), dtype=jnp.float32)
    batch = jnp.zeros((N,), dtype=jnp.int32)
    W1 = jax.random.normal(k2, (3, HIDDEN), dtype=jnp.float32) / jnp.sqrt(3.0)
    b1 = jnp.zeros((HIDDEN,), dtype=jnp.float32)
    W2 = jax.random.normal(k3, (HIDDEN, OUT), dtype=jnp.float32) / jnp.sqrt(float(HIDDEN))
    b2 = jnp.zeros((OUT,), dtype=jnp.float32)
    return {"pos": pos, "batch": batch, "W1": W1, "b1": b1, "W2": W2, "b2": b2}


def fps(pos, n_sample):
    npts = pos.shape[0]

    def body(i, state):
        sel, dists = state
        last = sel[i - 1]
        d = jnp.sum((pos - pos[last]) ** 2, axis=1)
        dists = jnp.minimum(dists, d)
        nxt = jnp.argmax(dists).astype(jnp.int32)
        sel = sel.at[i].set(nxt)
        return (sel, dists)

    sel0 = jnp.zeros((n_sample,), dtype=jnp.int32)
    dists0 = jnp.full((npts,), jnp.inf, dtype=jnp.float32)
    sel, _ = jax.lax.fori_loop(1, n_sample, body, (sel0, dists0))
    return sel


def radius_query(pos, q, r, k):
    s = q.shape[0]
    chunk = 1024
    nchunks = s // chunk
    qc = q.reshape(nchunks, chunk, 3)

    def f(qb):
        d2 = jnp.sum((qb[:, None, :] - pos[None, :, :]) ** 2, axis=-1)
        negd, idx = jax.lax.top_k(-d2, k)
        valid = (-negd) <= r * r
        return idx, valid

    idx, valid = jax.lax.map(f, qc)
    return idx.reshape(s, k), valid.reshape(s, k)


def reference(pos, batch, W1, b1, W2, b2):
    n_sample = int(pos.shape[0] * FPS_RATIO)
    idx = fps(pos, n_sample)
    q = pos[idx]
    nbr, valid = radius_query(pos, q, RADIUS, MAX_NEIGHBORS)
    # torch_cluster.radius returns (row=query idx into pos[idx], col=idx into pos);
    # edge_index = stack([col, row]); PointNetConv message: pos_j - pos_i = pos[col] - pos[row]
    row = jnp.repeat(jnp.arange(n_sample, dtype=jnp.int32), MAX_NEIGHBORS)
    col = nbr.reshape(-1)
    mask = valid.reshape(-1)
    rel = pos[col] - pos[row]
    h = jax.nn.relu(rel @ W1 + b1)
    msg = h @ W2 + b2
    msg = jnp.where(mask[:, None], msg, -jnp.inf)
    out = jax.ops.segment_max(msg, row, num_segments=pos.shape[0])
    out = jnp.where(jnp.isfinite(out), out, 0.0)
    return out

if __name__ == "__main__":
    import jax
    _d = setup_inputs()
    print(jax.jit(kernel)(*tuple(_d.values())))

</pallas_src>

<mosaic_0001>
#map = affine_map<(d0, d1) -> (0, 0)>
#map1 = affine_map<(d0, d1) -> (0)>
module attributes {stable_mosaic.version = 14 : i64} {
  func.func @k(%arg0: i32, %arg1: i32, %arg2: memref<16384x128xf32, #tpu.memory_space<hbm>>, %arg3: memref<262144xi32, #tpu.memory_space<hbm>>, %arg4: memref<262144x128xf32, #tpu.memory_space<hbm>>, %arg5: memref<512xi32, #tpu.memory_space<vmem>>, %arg6: memref<512x128xf32, #tpu.memory_space<vmem>>, %arg7: memref<!tpu.dma_semaphore, #tpu.memory_space<semaphore_mem>>) attributes {dimension_semantics = [#tpu.dimension_semantics<core_parallel>, #tpu.dimension_semantics<subcore_parallel>], iteration_bounds = array<i64: 2, 16>, scalar_prefetch = 0 : i64, scratch_operands = 3 : i64, tpu.core_type = #tpu.core_type<sc_vector_subcore>, window_params = [{transform_indices = #map}, {transform_indices = #map1}, {transform_indices = #map}]} {
    %mul3A = arith.constant 2 : i32
    %mul3A_0 = arith.muli %arg1, %mul3A : i32
    %add3A = arith.addi %mul3A_0, %arg0 : i32
    %mul3A_1 = arith.constant 8192 : i32
    %mul3A_2 = arith.muli %add3A, %mul3A_1 : i32
    %add3A_3 = arith.constant 0 : i32
    %add3A_4 = arith.addi %mul3A_2, %add3A_3 : i32
    "tpu.region"() ({
      %run_scoped3A = tpu.sem_alloc : memref<!tpu.dma_semaphore, #tpu.memory_space<semaphore_mem>>
      %dma_start3A_129 = tpu.memref_slice %arg3[%add3A_4] : memref<262144xi32, #tpu.memory_space<hbm>> -> memref<512xi32, #tpu.memory_space<hbm>>
      %dma_start3A_130 = tpu.memref_slice %arg3[%add3A_4] : memref<262144xi32, #tpu.memory_space<hbm>> -> memref<512xi32, #tpu.memory_space<hbm>>
      tpu.enqueue_dma source(%dma_start3A_130 : memref<512xi32, #tpu.memory_space<hbm>>) target(%arg5 : memref<512xi32, #tpu.memory_space<vmem>>) target_semaphore(%run_scoped3A : memref<!tpu.dma_semaphore, #tpu.memory_space<semaphore_mem>>)
      %dma_wait3A_131 = tpu.memref_slice %arg3[%add3A_4] : memref<262144xi32, #tpu.memory_space<hbm>> -> memref<512xi32, #tpu.memory_space<hbm>>
      %dma_wait3A_132 = tpu.memref_slice %arg3[%add3A_4] : memref<262144xi32, #tpu.memory_space<hbm>> -> memref<512xi32, #tpu.memory_space<hbm>>
      tpu.wait_dma2 semaphore(%run_scoped3A : memref<!tpu.dma_semaphore, #tpu.memory_space<semaphore_mem>>) src(%dma_wait3A_132 : memref<512xi32, #tpu.memory_space<hbm>>) dst(%arg5 : memref<512xi32, #tpu.memory_space<vmem>>)
      tpu.yield
    }) : () -> ()
    %dma_start3A = arith.constant 0 : i32
    %dma_start3A_5 = arith.constant 0 : i32
    %dma_start3A_6 = tpu.memref_slice %arg2[%dma_start3A, %dma_start3A_5] : memref<16384x128xf32, #tpu.memory_space<hbm>> -> memref<16384x128xf32, #tpu.memory_space<hbm>>
    tpu.enqueue_indirect_dma source(%dma_start3A_6 : memref<16384x128xf32, #tpu.memory_space<hbm>>) target(%arg6 : memref<512x128xf32, #tpu.memory_space<vmem>>) offsets(%arg5 : memref<512xi32, #tpu.memory_space<vmem>>) semaphore(%arg7 : memref<!tpu.dma_semaphore, #tpu.memory_space<semaphore_mem>>)
    %dma_wait3A = arith.constant 0 : i32
    %dma_wait3A_7 = arith.constant 0 : i32
    %dma_wait3A_8 = tpu.memref_slice %arg2[%dma_wait3A, %dma_wait3A_7] : memref<16384x128xf32, #tpu.memory_space<hbm>> -> memref<16384x128xf32, #tpu.memory_space<hbm>>
    tpu.wait_indirect_dma semaphore(%arg7 : memref<!tpu.dma_semaphore, #tpu.memory_space<semaphore_mem>>) src(%dma_wait3A_8 : memref<16384x128xf32, #tpu.memory_space<hbm>>) dst(%arg6 : memref<512x128xf32, #tpu.memory_space<vmem>>)
    "tpu.region"() ({
      %run_scoped3A = tpu.sem_alloc : memref<!tpu.dma_semaphore, #tpu.memory_space<semaphore_mem>>
      %dma_start3A_129 = arith.constant 0 : i32
      %dma_start3A_130 = tpu.memref_slice %arg4[%add3A_4, %dma_start3A_129] : memref<262144x128xf32, #tpu.memory_space<hbm>> -> memref<512x128xf32, #tpu.memory_space<hbm>>
      %dma_start3A_131 = arith.constant 0 : i32
      %dma_start3A_132 = tpu.memref_slice %arg4[%add3A_4, %dma_start3A_131] : memref<262144x128xf32, #tpu.memory_space<hbm>> -> memref<512x128xf32, #tpu.memory_space<hbm>>
      tpu.enqueue_dma source(%arg6 : memref<512x128xf32, #tpu.memory_space<vmem>>) target(%dma_start3A_132 : memref<512x128xf32, #tpu.memory_space<hbm>>) target_semaphore(%run_scoped3A : memref<!tpu.dma_semaphore, #tpu.memory_space<semaphore_mem>>)
      %dma_wait3A_133 = arith.constant 0 : i32
      %dma_wait3A_134 = tpu.memref_slice %arg4[%add3A_4, %dma_wait3A_133] : memref<262144x128xf32, #tpu.memory_space<hbm>> -> memref<512x128xf32, #tpu.memory_space<hbm>>
      %dma_wait3A_135 = arith.constant 0 : i32
      %dma_wait3A_136 = tpu.memref_slice %arg4[%add3A_4, %dma_wait3A_135] : memref<262144x128xf32, #tpu.memory_space<hbm>> -> memref<512x128xf32, #tpu.memory_space<hbm>>
      tpu.wait_dma2 semaphore(%run_scoped3A : memref<!tpu.dma_semaphore, #tpu.memory_space<semaphore_mem>>) src(%arg6 : memref<512x128xf32, #tpu.memory_space<vmem>>) dst(%dma_wait3A_136 : memref<512x128xf32, #tpu.memory_space<hbm>>)
      tpu.yield
    }) : () -> ()
    %add3A_9 = arith.constant 512 : i32
    %add3A_10 = arith.addi %mul3A_2, %add3A_9 : i32
    "tpu.region"() ({
      %run_scoped3A = tpu.sem_alloc : memref<!tpu.dma_semaphore, #tpu.memory_space<semaphore_mem>>
      %dma_start3A_129 = tpu.memref_slice %arg3[%add3A_10] : memref<262144xi32, #tpu.memory_space<hbm>> -> memref<512xi32, #tpu.memory_space<hbm>>
      %dma_start3A_130 = tpu.memref_slice %arg3[%add3A_10] : memref<262144xi32, #tpu.memory_space<hbm>> -> memref<512xi32, #tpu.memory_space<hbm>>
      tpu.enqueue_dma source(%dma_start3A_130 : memref<512xi32, #tpu.memory_space<hbm>>) target(%arg5 : memref<512xi32, #tpu.memory_space<vmem>>) target_semaphore(%run_scoped3A : memref<!tpu.dma_semaphore, #tpu.memory_space<semaphore_mem>>)
      %dma_wait3A_131 = tpu.memref_slice %arg3[%add3A_10] : memref<262144xi32, #tpu.memory_space<hbm>> -> memref<512xi32, #tpu.memory_space<hbm>>
      %dma_wait3A_132 = tpu.memref_slice %arg3[%add3A_10] : memref<262144xi32, #tpu.memory_space<hbm>> -> memref<512xi32, #tpu.memory_space<hbm>>
      tpu.wait_dma2 semaphore(%run_scoped3A : memref<!tpu.dma_semaphore, #tpu.memory_space<semaphore_mem>>) src(%dma_wait3A_132 : memref<512xi32, #tpu.memory_space<hbm>>) dst(%arg5 : memref<512xi32, #tpu.memory_space<vmem>>)
      tpu.yield
    }) : () -> ()
    %dma_start3A_11 = arith.constant 0 : i32
    %dma_start3A_12 = arith.constant 0 : i32
    %dma_start3A_13 = tpu.memref_slice %arg2[%dma_start3A_11, %dma_start3A_12] : memref<16384x128xf32, #tpu.memory_space<hbm>> -> memref<16384x128xf32, #tpu.memory_space<hbm>>
    tpu.enqueue_indirect_dma source(%dma_start3A_13 : memref<16384x128xf32, #tpu.memory_space<hbm>>) target(%arg6 : memref<512x128xf32, #tpu.memory_space<vmem>>) offsets(%arg5 : memref<512xi32, #tpu.memory_space<vmem>>) semaphore(%arg7 : memref<!tpu.dma_semaphore, #tpu.memory_space<semaphore_mem>>)
    %dma_wait3A_14 = arith.constant 0 : i32
    %dma_wait3A_15 = arith.constant 0 : i32
    %dma_wait3A_16 = tpu.memref_slice %arg2[%dma_wait3A_14, %dma_wait3A_15] : memref<16384x128xf32, #tpu.memory_space<hbm>> -> memref<16384x128xf32, #tpu.memory_space<hbm>>
    tpu.wait_indirect_dma semaphore(%arg7 : memref<!tpu.dma_semaphore, #tpu.memory_space<semaphore_mem>>) src(%dma_wait3A_16 : memref<16384x128xf32, #tpu.memory_space<hbm>>) dst(%arg6 : memref<512x128xf32, #tpu.memory_space<vmem>>)
    "tpu.region"() ({
      %run_scoped3A = tpu.sem_alloc : memref<!tpu.dma_semaphore, #tpu.memory_space<semaphore_mem>>
      %dma_start3A_129 = arith.constant 0 : i32
      %dma_start3A_130 = tpu.memref_slice %arg4[%add3A_10, %dma_start3A_129] : memref<262144x128xf32, #tpu.memory_space<hbm>> -> memref<512x128xf32, #tpu.memory_space<hbm>>
      %dma_start3A_131 = arith.constant 0 : i32
      %dma_start3A_132 = tpu.memref_slice %arg4[%add3A_10, %dma_start3A_131] : memref<262144x128xf32, #tpu.memory_space<hbm>> -> memref<512x128xf32, #tpu.memory_space<hbm>>
      tpu.enqueue_dma source(%arg6 : memref<512x128xf32, #tpu.memory_space<vmem>>) target(%dma_start3A_132 : memref<512x128xf32, #tpu.memory_space<hbm>>) target_semaphore(%run_scoped3A : memref<!tpu.dma_semaphore, #tpu.memory_space<semaphore_mem>>)
      %dma_wait3A_133 = arith.constant 0 : i32
      %dma_wait3A_134 = tpu.memref_slice %arg4[%add3A_10, %dma_wait3A_133] : memref<262144x128xf32, #tpu.memory_space<hbm>> -> memref<512x128xf32, #tpu.memory_space<hbm>>
      %dma_wait3A_135 = arith.constant 0 : i32
      %dma_wait3A_136 = tpu.memref_slice %arg4[%add3A_10, %dma_wait3A_135] : memref<262144x128xf32, #tpu.memory_space<hbm>> -> memref<512x128xf32, #tpu.memory_space<hbm>>
      tpu.wait_dma2 semaphore(%run_scoped3A : memref<!tpu.dma_semaphore, #tpu.memory_space<semaphore_mem>>) src(%arg6 : memref<512x128xf32, #tpu.memory_space<vmem>>) dst(%dma_wait3A_136 : memref<512x128xf32, #tpu.memory_space<hbm>>)
      tpu.yield
    }) : () -> ()
    %add3A_17 = arith.constant 1024 : i32
    %add3A_18 = arith.addi %mul3A_2, %add3A_17 : i32
    "tpu.region"() ({
      %run_scoped3A = tpu.sem_alloc : memref<!tpu.dma_semaphore, #tpu.memory_space<semaphore_mem>>
      %dma_start3A_129 = tpu.memref_slice %arg3[%add3A_18] : memref<262144xi32, #tpu.memory_space<hbm>> -> memref<512xi32, #tpu.memory_space<hbm>>
      %dma_start3A_130 = tpu.memref_slice %arg3[%add3A_18] : memref<262144xi32, #tpu.memory_space<hbm>> -> memref<512xi32, #tpu.memory_space<hbm>>
      tpu.enqueue_dma source(%dma_start3A_130 : memref<512xi32, #tpu.memory_space<hbm>>) target(%arg5 : memref<512xi32, #tpu.memory_space<vmem>>) target_semaphore(%run_scoped3A : memref<!tpu.dma_semaphore, #tpu.memory_space<semaphore_mem>>)
      %dma_wait3A_131 = tpu.memref_slice %arg3[%add3A_18] : memref<262144xi32, #tpu.memory_space<hbm>> -> memref<512xi32, #tpu.memory_space<hbm>>
      %dma_wait3A_132 = tpu.memref_slice %arg3[%add3A_18] : memref<262144xi32, #tpu.memory_space<hbm>> -> memref<512xi32, #tpu.memory_space<hbm>>
      tpu.wait_dma2 semaphore(%run_scoped3A : memref<!tpu.dma_semaphore, #tpu.memory_space<semaphore_mem>>) src(%dma_wait3A_132 : memref<512xi32, #tpu.memory_space<hbm>>) dst(%arg5 : memref<512xi32, #tpu.memory_space<vmem>>)
      tpu.yield
    }) : () -> ()
    %dma_start3A_19 = arith.constant 0 : i32
    %dma_start3A_20 = arith.constant 0 : i32
    %dma_start3A_21 = tpu.memref_slice %arg2[%dma_start3A_19, %dma_start3A_20] : memref<16384x128xf32, #tpu.memory_space<hbm>> -> memref<16384x128xf32, #tpu.memory_space<hbm>>
    tpu.enqueue_indirect_dma source(%dma_start3A_21 : memref<16384x128xf32, #tpu.memory_space<hbm>>) target(%arg6 : memref<512x128xf32, #tpu.memory_space<vmem>>) offsets(%arg5 : memref<512xi32, #tpu.memory_space<vmem>>) semaphore(%arg7 : memref<!tpu.dma_semaphore, #tpu.memory_space<semaphore_mem>>)
    %dma_wait3A_22 = arith.constant 0 : i32
    %dma_wait3A_23 = arith.constant 0 : i32
    %dma_wait3A_24 = tpu.memref_slice %arg2[%dma_wait3A_22, %dma_wait3A_23] : memref<16384x128xf32, #tpu.memory_space<hbm>> -> memref<16384x128xf32, #tpu.memory_space<hbm>>
    tpu.wait_indirect_dma semaphore(%arg7 : memref<!tpu.dma_semaphore, #tpu.memory_space<semaphore_mem>>) src(%dma_wait3A_24 : memref<16384x128xf32, #tpu.memory_space<hbm>>) dst(%arg6 : memref<512x128xf32, #tpu.memory_space<vmem>>)
    "tpu.region"() ({
      %run_scoped3A = tpu.sem_alloc : memref<!tpu.dma_semaphore, #tpu.memory_space<semaphore_mem>>
      %dma_start3A_129 = arith.constant 0 : i32
      %dma_start3A_130 = tpu.memref_slice %arg4[%add3A_18, %dma_start3A_129] : memref<262144x128xf32, #tpu.memory_space<hbm>> -> memref<512x128xf32, #tpu.memory_space<hbm>>
      %dma_start3A_131 = arith.constant 0 : i32
      %dma_start3A_132 = tpu.memref_slice %arg4[%add3A_18, %dma_start3A_131] : memref<262144x128xf32, #tpu.memory_space<hbm>> -> memref<512x128xf32, #tpu.memory_space<hbm>>
      tpu.enqueue_dma source(%arg6 : memref<512x128xf32, #tpu.memory_space<vmem>>) target(%dma_start3A_132 : memref<512x128xf32, #tpu.memory_space<hbm>>) target_semaphore(%run_scoped3A : memref<!tpu.dma_semaphore, #tpu.memory_space<semaphore_mem>>)
      %dma_wait3A_133 = arith.constant 0 : i32
      %dma_wait3A_134 = tpu.memref_slice %arg4[%add3A_18, %dma_wait3A_133] : memref<262144x128xf32, #tpu.memory_space<hbm>> -> memref<512x128xf32, #tpu.memory_space<hbm>>
      %dma_wait3A_135 = arith.constant 0 : i32
      %dma_wait3A_136 = tpu.memref_slice %arg4[%add3A_18, %dma_wait3A_135] : memref<262144x128xf32, #tpu.memory_space<hbm>> -> memref<512x128xf32, #tpu.memory_space<hbm>>
      tpu.wait_dma2 semaphore(%run_scoped3A : memref<!tpu.dma_semaphore, #tpu.memory_space<semaphore_mem>>) src(%arg6 : memref<512x128xf32, #tpu.memory_space<vmem>>) dst(%dma_wait3A_136 : memref<512x128xf32, #tpu.memory_space<hbm>>)
      tpu.yield
    }) : () -> ()
    %add3A_25 = arith.constant 1536 : i32
    %add3A_26 = arith.addi %mul3A_2, %add3A_25 : i32
    "tpu.region"() ({
      %run_scoped3A = tpu.sem_alloc : memref<!tpu.dma_semaphore, #tpu.memory_space<semaphore_mem>>
      %dma_start3A_129 = tpu.memref_slice %arg3[%add3A_26] : memref<262144xi32, #tpu.memory_space<hbm>> -> memref<512xi32, #tpu.memory_space<hbm>>
      %dma_start3A_130 = tpu.memref_slice %arg3[%add3A_26] : memref<262144xi32, #tpu.memory_space<hbm>> -> memref<512xi32, #tpu.memory_space<hbm>>
      tpu.enqueue_dma source(%dma_start3A_130 : memref<512xi32, #tpu.memory_space<hbm>>) target(%arg5 : memref<512xi32, #tpu.memory_space<vmem>>) target_semaphore(%run_scoped3A : memref<!tpu.dma_semaphore, #tpu.memory_space<semaphore_mem>>)
      %dma_wait3A_131 = tpu.memref_slice %arg3[%add3A_26] : memref<262144xi32, #tpu.memory_space<hbm>> -> memref<512xi32, #tpu.memory_space<hbm>>
      %dma_wait3A_132 = tpu.memref_slice %arg3[%add3A_26] : memref<262144xi32, #tpu.memory_space<hbm>> -> memref<512xi32, #tpu.memory_space<hbm>>
      tpu.wait_dma2 semaphore(%run_scoped3A : memref<!tpu.dma_semaphore, #tpu.memory_space<semaphore_mem>>) src(%dma_wait3A_132 : memref<512xi32, #tpu.memory_space<hbm>>) dst(%arg5 : memref<512xi32, #tpu.memory_space<vmem>>)
      tpu.yield
    }) : () -> ()
    %dma_start3A_27 = arith.constant 0 : i32
    %dma_start3A_28 = arith.constant 0 : i32
    %dma_start3A_29 = tpu.memref_slice %arg2[%dma_start3A_27, %dma_start3A_28] : memref<16384x128xf32, #tpu.memory_space<hbm>> -> memref<16384x128xf32, #tpu.memory_space<hbm>>
    tpu.enqueue_indirect_dma source(%dma_start3A_29 : memref<16384x128xf32, #tpu.memory_space<hbm>>) target(%arg6 : memref<512x128xf32, #tpu.memory_space<vmem>>) offsets(%arg5 : memref<512xi32, #tpu.memory_space<vmem>>) semaphore(%arg7 : memref<!tpu.dma_semaphore, #tpu.memory_space<semaphore_mem>>)
    %dma_wait3A_30 = arith.constant 0 : i32
    %dma_wait3A_31 = arith.constant 0 : i32
    %dma_wait3A_32 = tpu.memref_slice %arg2[%dma_wait3A_30, %dma_wait3A_31] : memref<16384x128xf32, #tpu.memory_space<hbm>> -> memref<16384x128xf32, #tpu.memory_space<hbm>>
    tpu.wait_indirect_dma semaphore(%arg7 : memref<!tpu.dma_semaphore, #tpu.memory_space<semaphore_mem>>) src(%dma_wait3A_32 : memref<16384x128xf32, #tpu.memory_space<hbm>>) dst(%arg6 : memref<512x128xf32, #tpu.memory_space<vmem>>)
    "tpu.region"() ({
      %run_scoped3A = tpu.sem_alloc : memref<!tpu.dma_semaphore, #tpu.memory_space<semaphore_mem>>
      %dma_start3A_129 = arith.constant 0 : i32
      %dma_start3A_130 = tpu.memref_slice %arg4[%add3A_26, %dma_start3A_129] : memref<262144x128xf32, #tpu.memory_space<hbm>> -> memref<512x128xf32, #tpu.memory_space<hbm>>
      %dma_start3A_131 = arith.constant 0 : i32
      %dma_start3A_132 = tpu.memref_slice %arg4[%add3A_26, %dma_start3A_131] : memref<262144x128xf32, #tpu.memory_space<hbm>> -> memref<512x128xf32, #tpu.memory_space<hbm>>
      tpu.enqueue_dma source(%arg6 : memref<512x128xf32, #tpu.memory_space<vmem>>) target(%dma_start3A_132 : memref<512x128xf32, #tpu.memory_space<hbm>>) target_semaphore(%run_scoped3A : memref<!tpu.dma_semaphore, #tpu.memory_space<semaphore_mem>>)
      %dma_wait3A_133 = arith.constant 0 : i32
      %dma_wait3A_134 = tpu.memref_slice %arg4[%add3A_26, %dma_wait3A_133] : memref<262144x128xf32, #tpu.memory_space<hbm>> -> memref<512x128xf32, #tpu.memory_space<hbm>>
      %dma_wait3A_135 = arith.constant 0 : i32
      %dma_wait3A_136 = tpu.memref_slice %arg4[%add3A_26, %dma_wait3A_135] : memref<262144x128xf32, #tpu.memory_space<hbm>> -> memref<512x128xf32, #tpu.memory_space<hbm>>
      tpu.wait_dma2 semaphore(%run_scoped3A : memref<!tpu.dma_semaphore, #tpu.memory_space<semaphore_mem>>) src(%arg6 : memref<512x128xf32, #tpu.memory_space<vmem>>) dst(%dma_wait3A_136 : memref<512x128xf32, #tpu.memory_space<hbm>>)
      tpu.yield
    }) : () -> ()
    %add3A_33 = arith.constant 2048 : i32
    %add3A_34 = arith.addi %mul3A_2, %add3A_33 : i32
    "tpu.region"() ({
      %run_scoped3A = tpu.sem_alloc : memref<!tpu.dma_semaphore, #tpu.memory_space<semaphore_mem>>
      %dma_start3A_129 = tpu.memref_slice %arg3[%add3A_34] : memref<262144xi32, #tpu.memory_space<hbm>> -> memref<512xi32, #tpu.memory_space<hbm>>
      %dma_start3A_130 = tpu.memref_slice %arg3[%add3A_34] : memref<262144xi32, #tpu.memory_space<hbm>> -> memref<512xi32, #tpu.memory_space<hbm>>
      tpu.enqueue_dma source(%dma_start3A_130 : memref<512xi32, #tpu.memory_space<hbm>>) target(%arg5 : memref<512xi32, #tpu.memory_space<vmem>>) target_semaphore(%run_scoped3A : memref<!tpu.dma_semaphore, #tpu.memory_space<semaphore_mem>>)
      %dma_wait3A_131 = tpu.memref_slice %arg3[%add3A_34] : memref<262144xi32, #tpu.memory_space<hbm>> -> memref<512xi32, #tpu.memory_space<hbm>>
      %dma_wait3A_132 = tpu.memref_slice %arg3[%add3A_34] : memref<262144xi32, #tpu.memory_space<hbm>> -> memref<512xi32, #tpu.memory_space<hbm>>
      tpu.wait_dma2 semaphore(%run_scoped3A : memref<!tpu.dma_semaphore, #tpu.memory_space<semaphore_mem>>) src(%dma_wait3A_132 : memref<512xi32, #tpu.memory_space<hbm>>) dst(%arg5 : memref<512xi32, #tpu.memory_space<vmem>>)
      tpu.yield
    }) : () -> ()
    %dma_start3A_35 = arith.constant 0 : i32
    %dma_start3A_36 = arith.constant 0 : i32
    %dma_start3A_37 = tpu.memref_slice %arg2[%dma_start3A_35, %dma_start3A_36] : memref<16384x128xf32, #tpu.memory_space<hbm>> -> memref<16384x128xf32, #tpu.memory_space<hbm>>
    tpu.enqueue_indirect_dma source(%dma_start3A_37 : memref<16384x128xf32, #tpu.memory_space<hbm>>) target(%arg6 : memref<512x128xf32, #tpu.memory_space<vmem>>) offsets(%arg5 : memref<512xi32, #tpu.memory_space<vmem>>) semaphore(%arg7 : memref<!tpu.dma_semaphore, #tpu.memory_space<semaphore_mem>>)
    %dma_wait3A_38 = arith.constant 0 : i32
    %dma_wait3A_39 = arith.constant 0 : i32
    %dma_wait3A_40 = tpu.memref_slice %arg2[%dma_wait3A_38, %dma_wait3A_39] : memref<16384x128xf32, #tpu.memory_space<hbm>> -> memref<16384x128xf32, #tpu.memory_space<hbm>>
    tpu.wait_indirect_dma semaphore(%arg7 : memref<!tpu.dma_semaphore, #tpu.memory_space<semaphore_mem>>) src(%dma_wait3A_40 : memref<16384x128xf32, #tpu.memory_space<hbm>>) dst(%arg6 : memref<512x128xf32, #tpu.memory_space<vmem>>)
    "tpu.region"() ({
      %run_scoped3A = tpu.sem_alloc : memref<!tpu.dma_semaphore, #tpu.memory_space<semaphore_mem>>
      %dma_start3A_129 = arith.constant 0 : i32
      %dma_start3A_130 = tpu.memref_slice %arg4[%add3A_34, %dma_start3A_129] : memref<262144x128xf32, #tpu.memory_space<hbm>> -> memref<512x128xf32, #tpu.memory_space<hbm>>
      %dma_start3A_131 = arith.constant 0 : i32
      %dma_start3A_132 = tpu.memref_slice %arg4[%add3A_34, %dma_start3A_131] : memref<262144x128xf32, #tpu.memory_space<hbm>> -> memref<512x128xf32, #tpu.memory_space<hbm>>
      tpu.enqueue_dma source(%arg6 : memref<512x128xf32, #tpu.memory_space<vmem>>) target(%dma_start3A_132 : memref<512x128xf32, #tpu.memory_space<hbm>>) target_semaphore(%run_scoped3A : memref<!tpu.dma_semaphore, #tpu.memory_space<semaphore_mem>>)
      %dma_wait3A_133 = arith.constant 0 : i32
      %dma_wait3A_134 = tpu.memref_slice %arg4[%add3A_34, %dma_wait3A_133] : memref<262144x128xf32, #tpu.memory_space<hbm>> -> memref<512x128xf32, #tpu.memory_space<hbm>>
      %dma_wait3A_135 = arith.constant 0 : i32
      %dma_wait3A_136 = tpu.memref_slice %arg4[%add3A_34, %dma_wait3A_135] : memref<262144x128xf32, #tpu.memory_space<hbm>> -> memref<512x128xf32, #tpu.memory_space<hbm>>
      tpu.wait_dma2 semaphore(%run_scoped3A : memref<!tpu.dma_semaphore, #tpu.memory_space<semaphore_mem>>) src(%arg6 : memref<512x128xf32, #tpu.memory_space<vmem>>) dst(%dma_wait3A_136 : memref<512x128xf32, #tpu.memory_space<hbm>>)
      tpu.yield
    }) : () -> ()
    %add3A_41 = arith.constant 2560 : i32
    %add3A_42 = arith.addi %mul3A_2, %add3A_41 : i32
    "tpu.region"() ({
      %run_scoped3A = tpu.sem_alloc : memref<!tpu.dma_semaphore, #tpu.memory_space<semaphore_mem>>
      %dma_start3A_129 = tpu.memref_slice %arg3[%add3A_42] : memref<262144xi32, #tpu.memory_space<hbm>> -> memref<512xi32, #tpu.memory_space<hbm>>
      %dma_start3A_130 = tpu.memref_slice %arg3[%add3A_42] : memref<262144xi32, #tpu.memory_space<hbm>> -> memref<512xi32, #tpu.memory_space<hbm>>
      tpu.enqueue_dma source(%dma_start3A_130 : memref<512xi32, #tpu.memory_space<hbm>>) target(%arg5 : memref<512xi32, #tpu.memory_space<vmem>>) target_semaphore(%run_scoped3A : memref<!tpu.dma_semaphore, #tpu.memory_space<semaphore_mem>>)
      %dma_wait3A_131 = tpu.memref_slice %arg3[%add3A_42] : memref<262144xi32, #tpu.memory_space<hbm>> -> memref<512xi32, #tpu.memory_space<hbm>>
      %dma_wait3A_132 = tpu.memref_slice %arg3[%add3A_42] : memref<262144xi32, #tpu.memory_space<hbm>> -> memref<512xi32, #tpu.memory_space<hbm>>
      tpu.wait_dma2 semaphore(%run_scoped3A : memref<!tpu.dma_semaphore, #tpu.memory_space<semaphore_mem>>) src(%dma_wait3A_132 : memref<512xi32, #tpu.memory_space<hbm>>) dst(%arg5 : memref<512xi32, #tpu.memory_space<vmem>>)
      tpu.yield
    }) : () -> ()
    %dma_start3A_43 = arith.constant 0 : i32
    %dma_start3A_44 = arith.constant 0 : i32
    %dma_start3A_45 = tpu.memref_slice %arg2[%dma_start3A_43, %dma_start3A_44] : memref<16384x128xf32, #tpu.memory_space<hbm>> -> memref<16384x128xf32, #tpu.memory_space<hbm>>
    tpu.enqueue_indirect_dma source(%dma_start3A_45 : memref<16384x128xf32, #tpu.memory_space<hbm>>) target(%arg6 : memref<512x128xf32, #tpu.memory_space<vmem>>) offsets(%arg5 : memref<512xi32, #tpu.memory_space<vmem>>) semaphore(%arg7 : memref<!tpu.dma_semaphore, #tpu.memory_space<semaphore_mem>>)
    %dma_wait3A_46 = arith.constant 0 : i32
    %dma_wait3A_47 = arith.constant 0 : i32
    %dma_wait3A_48 = tpu.memref_slice %arg2[%dma_wait3A_46, %dma_wait3A_47] : memref<16384x128xf32, #tpu.memory_space<hbm>> -> memref<16384x128xf32, #tpu.memory_space<hbm>>
    tpu.wait_indirect_dma semaphore(%arg7 : memref<!tpu.dma_semaphore, #tpu.memory_space<semaphore_mem>>) src(%dma_wait3A_48 : memref<16384x128xf32, #tpu.memory_space<hbm>>) dst(%arg6 : memref<512x128xf32, #tpu.memory_space<vmem>>)
    "tpu.region"() ({
      %run_scoped3A = tpu.sem_alloc : memref<!tpu.dma_semaphore, #tpu.memory_space<semaphore_mem>>
      %dma_start3A_129 = arith.constant 0 : i32
      %dma_start3A_130 = tpu.memref_slice %arg4[%add3A_42, %dma_start3A_129] : memref<262144x128xf32, #tpu.memory_space<hbm>> -> memref<512x128xf32, #tpu.memory_space<hbm>>
      %dma_start3A_131 = arith.constant 0 : i32
      %dma_start3A_132 = tpu.memref_slice %arg4[%add3A_42, %dma_start3A_131] : memref<262144x128xf32, #tpu.memory_space<hbm>> -> memref<512x128xf32, #tpu.memory_space<hbm>>
      tpu.enqueue_dma source(%arg6 : memref<512x128xf32, #tpu.memory_space<vmem>>) target(%dma_start3A_132 : memref<512x128xf32, #tpu.memory_space<hbm>>) target_semaphore(%run_scoped3A : memref<!tpu.dma_semaphore, #tpu.memory_space<semaphore_mem>>)
      %dma_wait3A_133 = arith.constant 0 : i32
      %dma_wait3A_134 = tpu.memref_slice %arg4[%add3A_42, %dma_wait3A_133] : memref<262144x128xf32, #tpu.memory_space<hbm>> -> memref<512x128xf32, #tpu.memory_space<hbm>>
      %dma_wait3A_135 = arith.constant 0 : i32
      %dma_wait3A_136 = tpu.memref_slice %arg4[%add3A_42, %dma_wait3A_135] : memref<262144x128xf32, #tpu.memory_space<hbm>> -> memref<512x128xf32, #tpu.memory_space<hbm>>
      tpu.wait_dma2 semaphore(%run_scoped3A : memref<!tpu.dma_semaphore, #tpu.memory_space<semaphore_mem>>) src(%arg6 : memref<512x128xf32, #tpu.memory_space<vmem>>) dst(%dma_wait3A_136 : memref<512x128xf32, #tpu.memory_space<hbm>>)
      tpu.yield
    }) : () -> ()
    %add3A_49 = arith.constant 3072 : i32
    %add3A_50 = arith.addi %mul3A_2, %add3A_49 : i32
    "tpu.region"() ({
      %run_scoped3A = tpu.sem_alloc : memref<!tpu.dma_semaphore, #tpu.memory_space<semaphore_mem>>
      %dma_start3A_129 = tpu.memref_slice %arg3[%add3A_50] : memref<262144xi32, #tpu.memory_space<hbm>> -> memref<512xi32, #tpu.memory_space<hbm>>
      %dma_start3A_130 = tpu.memref_slice %arg3[%add3A_50] : memref<262144xi32, #tpu.memory_space<hbm>> -> memref<512xi32, #tpu.memory_space<hbm>>
      tpu.enqueue_dma source(%dma_start3A_130 : memref<512xi32, #tpu.memory_space<hbm>>) target(%arg5 : memref<512xi32, #tpu.memory_space<vmem>>) target_semaphore(%run_scoped3A : memref<!tpu.dma_semaphore, #tpu.memory_space<semaphore_mem>>)
      %dma_wait3A_131 = tpu.memref_slice %arg3[%add3A_50] : memref<262144xi32, #tpu.memory_space<hbm>> -> memref<512xi32, #tpu.memory_space<hbm>>
      %dma_wait3A_132 = tpu.memref_slice %arg3[%add3A_50] : memref<262144xi32, #tpu.memory_space<hbm>> -> memref<512xi32, #tpu.memory_space<hbm>>
      tpu.wait_dma2 semaphore(%run_scoped3A : memref<!tpu.dma_semaphore, #tpu.memory_space<semaphore_mem>>) src(%dma_wait3A_132 : memref<512xi32, #tpu.memory_space<hbm>>) dst(%arg5 : memref<512xi32, #tpu.memory_space<vmem>>)
      tpu.yield
    }) : () -> ()
    %dma_start3A_51 = arith.constant 0 : i32
    %dma_start3A_52 = arith.constant 0 : i32
    %dma_start3A_53 = tpu.memref_slice %arg2[%dma_start3A_51, %dma_start3A_52] : memref<16384x128xf32, #tpu.memory_space<hbm>> -> memref<16384x128xf32, #tpu.memory_space<hbm>>
    tpu.enqueue_indirect_dma source(%dma_start3A_53 : memref<16384x128xf32, #tpu.memory_space<hbm>>) target(%arg6 : memref<512x128xf32, #tpu.memory_space<vmem>>) offsets(%arg5 : memref<512xi32, #tpu.memory_space<vmem>>) semaphore(%arg7 : memref<!tpu.dma_semaphore, #tpu.memory_space<semaphore_mem>>)
    %dma_wait3A_54 = arith.constant 0 : i32
    %dma_wait3A_55 = arith.constant 0 : i32
    %dma_wait3A_56 = tpu.memref_slice %arg2[%dma_wait3A_54, %dma_wait3A_55] : memref<16384x128xf32, #tpu.memory_space<hbm>> -> memref<16384x128xf32, #tpu.memory_space<hbm>>
    tpu.wait_indirect_dma semaphore(%arg7 : memref<!tpu.dma_semaphore, #tpu.memory_space<semaphore_mem>>) src(%dma_wait3A_56 : memref<16384x128xf32, #tpu.memory_space<hbm>>) dst(%arg6 : memref<512x128xf32, #tpu.memory_space<vmem>>)
    "tpu.region"() ({
      %run_scoped3A = tpu.sem_alloc : memref<!tpu.dma_semaphore, #tpu.memory_space<semaphore_mem>>
      %dma_start3A_129 = arith.constant 0 : i32
      %dma_start3A_130 = tpu.memref_slice %arg4[%add3A_50, %dma_start3A_129] : memref<262144x128xf32, #tpu.memory_space<hbm>> -> memref<512x128xf32, #tpu.memory_space<hbm>>
      %dma_start3A_131 = arith.constant 0 : i32
      %dma_start3A_132 = tpu.memref_slice %arg4[%add3A_50, %dma_start3A_131] : memref<262144x128xf32, #tpu.memory_space<hbm>> -> memref<512x128xf32, #tpu.memory_space<hbm>>
      tpu.enqueue_dma source(%arg6 : memref<512x128xf32, #tpu.memory_space<vmem>>) target(%dma_start3A_132 : memref<512x128xf32, #tpu.memory_space<hbm>>) target_semaphore(%run_scoped3A : memref<!tpu.dma_semaphore, #tpu.memory_space<semaphore_mem>>)
      %dma_wait3A_133 = arith.constant 0 : i32
      %dma_wait3A_134 = tpu.memref_slice %arg4[%add3A_50, %dma_wait3A_133] : memref<262144x128xf32, #tpu.memory_space<hbm>> -> memref<512x128xf32, #tpu.memory_space<hbm>>
      %dma_wait3A_135 = arith.constant 0 : i32
      %dma_wait3A_136 = tpu.memref_slice %arg4[%add3A_50, %dma_wait3A_135] : memref<262144x128xf32, #tpu.memory_space<hbm>> -> memref<512x128xf32, #tpu.memory_space<hbm>>
      tpu.wait_dma2 semaphore(%run_scoped3A : memref<!tpu.dma_semaphore, #tpu.memory_space<semaphore_mem>>) src(%arg6 : memref<512x128xf32, #tpu.memory_space<vmem>>) dst(%dma_wait3A_136 : memref<512x128xf32, #tpu.memory_space<hbm>>)
      tpu.yield
    }) : () -> ()
    %add3A_57 = arith.constant 3584 : i32
    %add3A_58 = arith.addi %mul3A_2, %add3A_57 : i32
    "tpu.region"() ({
      %run_scoped3A = tpu.sem_alloc : memref<!tpu.dma_semaphore, #tpu.memory_space<semaphore_mem>>
      %dma_start3A_129 = tpu.memref_slice %arg3[%add3A_58] : memref<262144xi32, #tpu.memory_space<hbm>> -> memref<512xi32, #tpu.memory_space<hbm>>
      %dma_start3A_130 = tpu.memref_slice %arg3[%add3A_58] : memref<262144xi32, #tpu.memory_space<hbm>> -> memref<512xi32, #tpu.memory_space<hbm>>
      tpu.enqueue_dma source(%dma_start3A_130 : memref<512xi32, #tpu.memory_space<hbm>>) target(%arg5 : memref<512xi32, #tpu.memory_space<vmem>>) target_semaphore(%run_scoped3A : memref<!tpu.dma_semaphore, #tpu.memory_space<semaphore_mem>>)
      %dma_wait3A_131 = tpu.memref_slice %arg3[%add3A_58] : memref<262144xi32, #tpu.memory_space<hbm>> -> memref<512xi32, #tpu.memory_space<hbm>>
      %dma_wait3A_132 = tpu.memref_slice %arg3[%add3A_58] : memref<262144xi32, #tpu.memory_space<hbm>> -> memref<512xi32, #tpu.memory_space<hbm>>
      tpu.wait_dma2 semaphore(%run_scoped3A : memref<!tpu.dma_semaphore, #tpu.memory_space<semaphore_mem>>) src(%dma_wait3A_132 : memref<512xi32, #tpu.memory_space<hbm>>) dst(%arg5 : memref<512xi32, #tpu.memory_space<vmem>>)
      tpu.yield
    }) : () -> ()
    %dma_start3A_59 = arith.constant 0 : i32
    %dma_start3A_60 = arith.constant 0 : i32
    %dma_start3A_61 = tpu.memref_slice %arg2[%dma_start3A_59, %dma_start3A_60] : memref<16384x128xf32, #tpu.memory_space<hbm>> -> memref<16384x128xf32, #tpu.memory_space<hbm>>
    tpu.enqueue_indirect_dma source(%dma_start3A_61 : memref<16384x128xf32, #tpu.memory_space<hbm>>) target(%arg6 : memref<512x128xf32, #tpu.memory_space<vmem>>) offsets(%arg5 : memref<512xi32, #tpu.memory_space<vmem>>) semaphore(%arg7 : memref<!tpu.dma_semaphore, #tpu.memory_space<semaphore_mem>>)
    %dma_wait3A_62 = arith.constant 0 : i32
    %dma_wait3A_63 = arith.constant 0 : i32
    %dma_wait3A_64 = tpu.memref_slice %arg2[%dma_wait3A_62, %dma_wait3A_63] : memref<16384x128xf32, #tpu.memory_space<hbm>> -> memref<16384x128xf32, #tpu.memory_space<hbm>>
    tpu.wait_indirect_dma semaphore(%arg7 : memref<!tpu.dma_semaphore, #tpu.memory_space<semaphore_mem>>) src(%dma_wait3A_64 : memref<16384x128xf32, #tpu.memory_space<hbm>>) dst(%arg6 : memref<512x128xf32, #tpu.memory_space<vmem>>)
    "tpu.region"() ({
      %run_scoped3A = tpu.sem_alloc : memref<!tpu.dma_semaphore, #tpu.memory_space<semaphore_mem>>
      %dma_start3A_129 = arith.constant 0 : i32
      %dma_start3A_130 = tpu.memref_slice %arg4[%add3A_58, %dma_start3A_129] : memref<262144x128xf32, #tpu.memory_space<hbm>> -> memref<512x128xf32, #tpu.memory_space<hbm>>
      %dma_start3A_131 = arith.constant 0 : i32
      %dma_start3A_132 = tpu.memref_slice %arg4[%add3A_58, %dma_start3A_131] : memref<262144x128xf32, #tpu.memory_space<hbm>> -> memref<512x128xf32, #tpu.memory_space<hbm>>
      tpu.enqueue_dma source(%arg6 : memref<512x128xf32, #tpu.memory_space<vmem>>) target(%dma_start3A_132 : memref<512x128xf32, #tpu.memory_space<hbm>>) target_semaphore(%run_scoped3A : memref<!tpu.dma_semaphore, #tpu.memory_space<semaphore_mem>>)
      %dma_wait3A_133 = arith.constant 0 : i32
      %dma_wait3A_134 = tpu.memref_slice %arg4[%add3A_58, %dma_wait3A_133] : memref<262144x128xf32, #tpu.memory_space<hbm>> -> memref<512x128xf32, #tpu.memory_space<hbm>>
      %dma_wait3A_135 = arith.constant 0 : i32
      %dma_wait3A_136 = tpu.memref_slice %arg4[%add3A_58, %dma_wait3A_135] : memref<262144x128xf32, #tpu.memory_space<hbm>> -> memref<512x128xf32, #tpu.memory_space<hbm>>
      tpu.wait_dma2 semaphore(%run_scoped3A : memref<!tpu.dma_semaphore, #tpu.memory_space<semaphore_mem>>) src(%arg6 : memref<512x128xf32, #tpu.memory_space<vmem>>) dst(%dma_wait3A_136 : memref<512x128xf32, #tpu.memory_space<hbm>>)
      tpu.yield
    }) : () -> ()
    %add3A_65 = arith.constant 4096 : i32
    %add3A_66 = arith.addi %mul3A_2, %add3A_65 : i32
    "tpu.region"() ({
      %run_scoped3A = tpu.sem_alloc : memref<!tpu.dma_semaphore, #tpu.memory_space<semaphore_mem>>
      %dma_start3A_129 = tpu.memref_slice %arg3[%add3A_66] : memref<262144xi32, #tpu.memory_space<hbm>> -> memref<512xi32, #tpu.memory_space<hbm>>
      %dma_start3A_130 = tpu.memref_slice %arg3[%add3A_66] : memref<262144xi32, #tpu.memory_space<hbm>> -> memref<512xi32, #tpu.memory_space<hbm>>
      tpu.enqueue_dma source(%dma_start3A_130 : memref<512xi32, #tpu.memory_space<hbm>>) target(%arg5 : memref<512xi32, #tpu.memory_space<vmem>>) target_semaphore(%run_scoped3A : memref<!tpu.dma_semaphore, #tpu.memory_space<semaphore_mem>>)
      %dma_wait3A_131 = tpu.memref_slice %arg3[%add3A_66] : memref<262144xi32, #tpu.memory_space<hbm>> -> memref<512xi32, #tpu.memory_space<hbm>>
      %dma_wait3A_132 = tpu.memref_slice %arg3[%add3A_66] : memref<262144xi32, #tpu.memory_space<hbm>> -> memref<512xi32, #tpu.memory_space<hbm>>
      tpu.wait_dma2 semaphore(%run_scoped3A : memref<!tpu.dma_semaphore, #tpu.memory_space<semaphore_mem>>) src(%dma_wait3A_132 : memref<512xi32, #tpu.memory_space<hbm>>) dst(%arg5 : memref<512xi32, #tpu.memory_space<vmem>>)
      tpu.yield
    }) : () -> ()
    %dma_start3A_67 = arith.constant 0 : i32
    %dma_start3A_68 = arith.constant 0 : i32
    %dma_start3A_69 = tpu.memref_slice %arg2[%dma_start3A_67, %dma_start3A_68] : memref<16384x128xf32, #tpu.memory_space<hbm>> -> memref<16384x128xf32, #tpu.memory_space<hbm>>
    tpu.enqueue_indirect_dma source(%dma_start3A_69 : memref<16384x128xf32, #tpu.memory_space<hbm>>) target(%arg6 : memref<512x128xf32, #tpu.memory_space<vmem>>) offsets(%arg5 : memref<512xi32, #tpu.memory_space<vmem>>) semaphore(%arg7 : memref<!tpu.dma_semaphore, #tpu.memory_space<semaphore_mem>>)
    %dma_wait3A_70 = arith.constant 0 : i32
    %dma_wait3A_71 = arith.constant 0 : i32
    %dma_wait3A_72 = tpu.memref_slice %arg2[%dma_wait3A_70, %dma_wait3A_71] : memref<16384x128xf32, #tpu.memory_space<hbm>> -> memref<16384x128xf32, #tpu.memory_space<hbm>>
    tpu.wait_indirect_dma semaphore(%arg7 : memref<!tpu.dma_semaphore, #tpu.memory_space<semaphore_mem>>) src(%dma_wait3A_72 : memref<16384x128xf32, #tpu.memory_space<hbm>>) dst(%arg6 : memref<512x128xf32, #tpu.memory_space<vmem>>)
    "tpu.region"() ({
      %run_scoped3A = tpu.sem_alloc : memref<!tpu.dma_semaphore, #tpu.memory_space<semaphore_mem>>
      %dma_start3A_129 = arith.constant 0 : i32
      %dma_start3A_130 = tpu.memref_slice %arg4[%add3A_66, %dma_start3A_129] : memref<262144x128xf32, #tpu.memory_space<hbm>> -> memref<512x128xf32, #tpu.memory_space<hbm>>
      %dma_start3A_131 = arith.constant 0 : i32
      %dma_start3A_132 = tpu.memref_slice %arg4[%add3A_66, %dma_start3A_131] : memref<262144x128xf32, #tpu.memory_space<hbm>> -> memref<512x128xf32, #tpu.memory_space<hbm>>
      tpu.enqueue_dma source(%arg6 : memref<512x128xf32, #tpu.memory_space<vmem>>) target(%dma_start3A_132 : memref<512x128xf32, #tpu.memory_space<hbm>>) target_semaphore(%run_scoped3A : memref<!tpu.dma_semaphore, #tpu.memory_space<semaphore_mem>>)
      %dma_wait3A_133 = arith.constant 0 : i32
      %dma_wait3A_134 = tpu.memref_slice %arg4[%add3A_66, %dma_wait3A_133] : memref<262144x128xf32, #tpu.memory_space<hbm>> -> memref<512x128xf32, #tpu.memory_space<hbm>>
      %dma_wait3A_135 = arith.constant 0 : i32
      %dma_wait3A_136 = tpu.memref_slice %arg4[%add3A_66, %dma_wait3A_135] : memref<262144x128xf32, #tpu.memory_space<hbm>> -> memref<512x128xf32, #tpu.memory_space<hbm>>
      tpu.wait_dma2 semaphore(%run_scoped3A : memref<!tpu.dma_semaphore, #tpu.memory_space<semaphore_mem>>) src(%arg6 : memref<512x128xf32, #tpu.memory_space<vmem>>) dst(%dma_wait3A_136 : memref<512x128xf32, #tpu.memory_space<hbm>>)
      tpu.yield
    }) : () -> ()
    %add3A_73 = arith.constant 4608 : i32
    %add3A_74 = arith.addi %mul3A_2, %add3A_73 : i32
    "tpu.region"() ({
      %run_scoped3A = tpu.sem_alloc : memref<!tpu.dma_semaphore, #tpu.memory_space<semaphore_mem>>
      %dma_start3A_129 = tpu.memref_slice %arg3[%add3A_74] : memref<262144xi32, #tpu.memory_space<hbm>> -> memref<512xi32, #tpu.memory_space<hbm>>
      %dma_start3A_130 = tpu.memref_slice %arg3[%add3A_74] : memref<262144xi32, #tpu.memory_space<hbm>> -> memref<512xi32, #tpu.memory_space<hbm>>
      tpu.enqueue_dma source(%dma_start3A_130 : memref<512xi32, #tpu.memory_space<hbm>>) target(%arg5 : memref<512xi32, #tpu.memory_space<vmem>>) target_semaphore(%run_scoped3A : memref<!tpu.dma_semaphore, #tpu.memory_space<semaphore_mem>>)
      %dma_wait3A_131 = tpu.memref_slice %arg3[%add3A_74] : memref<262144xi32, #tpu.memory_space<hbm>> -> memref<512xi32, #tpu.memory_space<hbm>>
      %dma_wait3A_132 = tpu.memref_slice %arg3[%add3A_74] : memref<262144xi32, #tpu.memory_space<hbm>> -> memref<512xi32, #tpu.memory_space<hbm>>
      tpu.wait_dma2 semaphore(%run_scoped3A : memref<!tpu.dma_semaphore, #tpu.memory_space<semaphore_mem>>) src(%dma_wait3A_132 : memref<512xi32, #tpu.memory_space<hbm>>) dst(%arg5 : memref<512xi32, #tpu.memory_space<vmem>>)
      tpu.yield
    }) : () -> ()
    %dma_start3A_75 = arith.constant 0 : i32
    %dma_start3A_76 = arith.constant 0 : i32
    %dma_start3A_77 = tpu.memref_slice %arg2[%dma_start3A_75, %dma_start3A_76] : memref<16384x128xf32, #tpu.memory_space<hbm>> -> memref<16384x128xf32, #tpu.memory_space<hbm>>
    tpu.enqueue_indirect_dma source(%dma_start3A_77 : memref<16384x128xf32, #tpu.memory_space<hbm>>) target(%arg6 : memref<512x128xf32, #tpu.memory_space<vmem>>) offsets(%arg5 : memref<512xi32, #tpu.memory_space<vmem>>) semaphore(%arg7 : memref<!tpu.dma_semaphore, #tpu.memory_space<semaphore_mem>>)
    %dma_wait3A_78 = arith.constant 0 : i32
    %dma_wait3A_79 = arith.constant 0 : i32
    %dma_wait3A_80 = tpu.memref_slice %arg2[%dma_wait3A_78, %dma_wait3A_79] : memref<16384x128xf32, #tpu.memory_space<hbm>> -> memref<16384x128xf32, #tpu.memory_space<hbm>>
    tpu.wait_indirect_dma semaphore(%arg7 : memref<!tpu.dma_semaphore, #tpu.memory_space<semaphore_mem>>) src(%dma_wait3A_80 : memref<16384x128xf32, #tpu.memory_space<hbm>>) dst(%arg6 : memref<512x128xf32, #tpu.memory_space<vmem>>)
    "tpu.region"() ({
      %run_scoped3A = tpu.sem_alloc : memref<!tpu.dma_semaphore, #tpu.memory_space<semaphore_mem>>
      %dma_start3A_129 = arith.constant 0 : i32
      %dma_start3A_130 = tpu.memref_slice %arg4[%add3A_74, %dma_start3A_129] : memref<262144x128xf32, #tpu.memory_space<hbm>> -> memref<512x128xf32, #tpu.memory_space<hbm>>
      %dma_start3A_131 = arith.constant 0 : i32
      %dma_start3A_132 = tpu.memref_slice %arg4[%add3A_74, %dma_start3A_131] : memref<262144x128xf32, #tpu.memory_space<hbm>> -> memref<512x128xf32, #tpu.memory_space<hbm>>
      tpu.enqueue_dma source(%arg6 : memref<512x128xf32, #tpu.memory_space<vmem>>) target(%dma_start3A_132 : memref<512x128xf32, #tpu.memory_space<hbm>>) target_semaphore(%run_scoped3A : memref<!tpu.dma_semaphore, #tpu.memory_space<semaphore_mem>>)
      %dma_wait3A_133 = arith.constant 0 : i32
      %dma_wait3A_134 = tpu.memref_slice %arg4[%add3A_74, %dma_wait3A_133] : memref<262144x128xf32, #tpu.memory_space<hbm>> -> memref<512x128xf32, #tpu.memory_space<hbm>>
      %dma_wait3A_135 = arith.constant 0 : i32
      %dma_wait3A_136 = tpu.memref_slice %arg4[%add3A_74, %dma_wait3A_135] : memref<262144x128xf32, #tpu.memory_space<hbm>> -> memref<512x128xf32, #tpu.memory_space<hbm>>
      tpu.wait_dma2 semaphore(%run_scoped3A : memref<!tpu.dma_semaphore, #tpu.memory_space<semaphore_mem>>) src(%arg6 : memref<512x128xf32, #tpu.memory_space<vmem>>) dst(%dma_wait3A_136 : memref<512x128xf32, #tpu.memory_space<hbm>>)
      tpu.yield
    }) : () -> ()
    %add3A_81 = arith.constant 5120 : i32
    %add3A_82 = arith.addi %mul3A_2, %add3A_81 : i32
    "tpu.region"() ({
      %run_scoped3A = tpu.sem_alloc : memref<!tpu.dma_semaphore, #tpu.memory_space<semaphore_mem>>
      %dma_start3A_129 = tpu.memref_slice %arg3[%add3A_82] : memref<262144xi32, #tpu.memory_space<hbm>> -> memref<512xi32, #tpu.memory_space<hbm>>
      %dma_start3A_130 = tpu.memref_slice %arg3[%add3A_82] : memref<262144xi32, #tpu.memory_space<hbm>> -> memref<512xi32, #tpu.memory_space<hbm>>
      tpu.enqueue_dma source(%dma_start3A_130 : memref<512xi32, #tpu.memory_space<hbm>>) target(%arg5 : memref<512xi32, #tpu.memory_space<vmem>>) target_semaphore(%run_scoped3A : memref<!tpu.dma_semaphore, #tpu.memory_space<semaphore_mem>>)
      %dma_wait3A_131 = tpu.memref_slice %arg3[%add3A_82] : memref<262144xi32, #tpu.memory_space<hbm>> -> memref<512xi32, #tpu.memory_space<hbm>>
      %dma_wait3A_132 = tpu.memref_slice %arg3[%add3A_82] : memref<262144xi32, #tpu.memory_space<hbm>> -> memref<512xi32, #tpu.memory_space<hbm>>
      tpu.wait_dma2 semaphore(%run_scoped3A : memref<!tpu.dma_semaphore, #tpu.memory_space<semaphore_mem>>) src(%dma_wait3A_132 : memref<512xi32, #tpu.memory_space<hbm>>) dst(%arg5 : memref<512xi32, #tpu.memory_space<vmem>>)
      tpu.yield
    }) : () -> ()
    %dma_start3A_83 = arith.constant 0 : i32
    %dma_start3A_84 = arith.constant 0 : i32
    %dma_start3A_85 = tpu.memref_slice %arg2[%dma_start3A_83, %dma_start3A_84] : memref<16384x128xf32, #tpu.memory_space<hbm>> -> memref<16384x128xf32, #tpu.memory_space<hbm>>
    tpu.enqueue_indirect_dma source(%dma_start3A_85 : memref<16384x128xf32, #tpu.memory_space<hbm>>) target(%arg6 : memref<512x128xf32, #tpu.memory_space<vmem>>) offsets(%arg5 : memref<512xi32, #tpu.memory_space<vmem>>) semaphore(%arg7 : memref<!tpu.dma_semaphore, #tpu.memory_space<semaphore_mem>>)
    %dma_wait3A_86 = arith.constant 0 : i32
    %dma_wait3A_87 = arith.constant 0 : i32
    %dma_wait3A_88 = tpu.memref_slice %arg2[%dma_wait3A_86, %dma_wait3A_87] : memref<16384x128xf32, #tpu.memory_space<hbm>> -> memref<16384x128xf32, #tpu.memory_space<hbm>>
    tpu.wait_indirect_dma semaphore(%arg7 : memref<!tpu.dma_semaphore, #tpu.memory_space<semaphore_mem>>) src(%dma_wait3A_88 : memref<16384x128xf32, #tpu.memory_space<hbm>>) dst(%arg6 : memref<512x128xf32, #tpu.memory_space<vmem>>)
    "tpu.region"() ({
      %run_scoped3A = tpu.sem_alloc : memref<!tpu.dma_semaphore, #tpu.memory_space<semaphore_mem>>
      %dma_start3A_129 = arith.constant 0 : i32
      %dma_start3A_130 = tpu.memref_slice %arg4[%add3A_82, %dma_start3A_129] : memref<262144x128xf32, #tpu.memory_space<hbm>> -> memref<512x128xf32, #tpu.memory_space<hbm>>
      %dma_start3A_131 = arith.constant 0 : i32
      %dma_start3A_132 = tpu.memref_slice %arg4[%add3A_82, %dma_start3A_131] : memref<262144x128xf32, #tpu.memory_space<hbm>> -> memref<512x128xf32, #tpu.memory_space<hbm>>
      tpu.enqueue_dma source(%arg6 : memref<512x128xf32, #tpu.memory_space<vmem>>) target(%dma_start3A_132 : memref<512x128xf32, #tpu.memory_space<hbm>>) target_semaphore(%run_scoped3A : memref<!tpu.dma_semaphore, #tpu.memory_space<semaphore_mem>>)
      %dma_wait3A_133 = arith.constant 0 : i32
      %dma_wait3A_134 = tpu.memref_slice %arg4[%add3A_82, %dma_wait3A_133] : memref<262144x128xf32, #tpu.memory_space<hbm>> -> memref<512x128xf32, #tpu.memory_space<hbm>>
      %dma_wait3A_135 = arith.constant 0 : i32
      %dma_wait3A_136 = tpu.memref_slice %arg4[%add3A_82, %dma_wait3A_135] : memref<262144x128xf32, #tpu.memory_space<hbm>> -> memref<512x128xf32, #tpu.memory_space<hbm>>
      tpu.wait_dma2 semaphore(%run_scoped3A : memref<!tpu.dma_semaphore, #tpu.memory_space<semaphore_mem>>) src(%arg6 : memref<512x128xf32, #tpu.memory_space<vmem>>) dst(%dma_wait3A_136 : memref<512x128xf32, #tpu.memory_space<hbm>>)
      tpu.yield
    }) : () -> ()
    %add3A_89 = arith.constant 5632 : i32
    %add3A_90 = arith.addi %mul3A_2, %add3A_89 : i32
    "tpu.region"() ({
      %run_scoped3A = tpu.sem_alloc : memref<!tpu.dma_semaphore, #tpu.memory_space<semaphore_mem>>
      %dma_start3A_129 = tpu.memref_slice %arg3[%add3A_90] : memref<262144xi32, #tpu.memory_space<hbm>> -> memref<512xi32, #tpu.memory_space<hbm>>
      %dma_start3A_130 = tpu.memref_slice %arg3[%add3A_90] : memref<262144xi32, #tpu.memory_space<hbm>> -> memref<512xi32, #tpu.memory_space<hbm>>
      tpu.enqueue_dma source(%dma_start3A_130 : memref<512xi32, #tpu.memory_space<hbm>>) target(%arg5 : memref<512xi32, #tpu.memory_space<vmem>>) target_semaphore(%run_scoped3A : memref<!tpu.dma_semaphore, #tpu.memory_space<semaphore_mem>>)
      %dma_wait3A_131 = tpu.memref_slice %arg3[%add3A_90] : memref<262144xi32, #tpu.memory_space<hbm>> -> memref<512xi32, #tpu.memory_space<hbm>>
      %dma_wait3A_132 = tpu.memref_slice %arg3[%add3A_90] : memref<262144xi32, #tpu.memory_space<hbm>> -> memref<512xi32, #tpu.memory_space<hbm>>
      tpu.wait_dma2 semaphore(%run_scoped3A : memref<!tpu.dma_semaphore, #tpu.memory_space<semaphore_mem>>) src(%dma_wait3A_132 : memref<512xi32, #tpu.memory_space<hbm>>) dst(%arg5 : memref<512xi32, #tpu.memory_space<vmem>>)
      tpu.yield
    }) : () -> ()
    %dma_start3A_91 = arith.constant 0 : i32
    %dma_start3A_92 = arith.constant 0 : i32
    %dma_start3A_93 = tpu.memref_slice %arg2[%dma_start3A_91, %dma_start3A_92] : memref<16384x128xf32, #tpu.memory_space<hbm>> -> memref<16384x128xf32, #tpu.memory_space<hbm>>
    tpu.enqueue_indirect_dma source(%dma_start3A_93 : memref<16384x128xf32, #tpu.memory_space<hbm>>) target(%arg6 : memref<512x128xf32, #tpu.memory_space<vmem>>) offsets(%arg5 : memref<512xi32, #tpu.memory_space<vmem>>) semaphore(%arg7 : memref<!tpu.dma_semaphore, #tpu.memory_space<semaphore_mem>>)
    %dma_wait3A_94 = arith.constant 0 : i32
    %dma_wait3A_95 = arith.constant 0 : i32
    %dma_wait3A_96 = tpu.memref_slice %arg2[%dma_wait3A_94, %dma_wait3A_95] : memref<16384x128xf32, #tpu.memory_space<hbm>> -> memref<16384x128xf32, #tpu.memory_space<hbm>>
    tpu.wait_indirect_dma semaphore(%arg7 : memref<!tpu.dma_semaphore, #tpu.memory_space<semaphore_mem>>) src(%dma_wait3A_96 : memref<16384x128xf32, #tpu.memory_space<hbm>>) dst(%arg6 : memref<512x128xf32, #tpu.memory_space<vmem>>)
    "tpu.region"() ({
      %run_scoped3A = tpu.sem_alloc : memref<!tpu.dma_semaphore, #tpu.memory_space<semaphore_mem>>
      %dma_start3A_129 = arith.constant 0 : i32
      %dma_start3A_130 = tpu.memref_slice %arg4[%add3A_90, %dma_start3A_129] : memref<262144x128xf32, #tpu.memory_space<hbm>> -> memref<512x128xf32, #tpu.memory_space<hbm>>
      %dma_start3A_131 = arith.constant 0 : i32
      %dma_start3A_132 = tpu.memref_slice %arg4[%add3A_90, %dma_start3A_131] : memref<262144x128xf32, #tpu.memory_space<hbm>> -> memref<512x128xf32, #tpu.memory_space<hbm>>
      tpu.enqueue_dma source(%arg6 : memref<512x128xf32, #tpu.memory_space<vmem>>) target(%dma_start3A_132 : memref<512x128xf32, #tpu.memory_space<hbm>>) target_semaphore(%run_scoped3A : memref<!tpu.dma_semaphore, #tpu.memory_space<semaphore_mem>>)
      %dma_wait3A_133 = arith.constant 0 : i32
      %dma_wait3A_134 = tpu.memref_slice %arg4[%add3A_90, %dma_wait3A_133] : memref<262144x128xf32, #tpu.memory_space<hbm>> -> memref<512x128xf32, #tpu.memory_space<hbm>>
      %dma_wait3A_135 = arith.constant 0 : i32
      %dma_wait3A_136 = tpu.memref_slice %arg4[%add3A_90, %dma_wait3A_135] : memref<262144x128xf32, #tpu.memory_space<hbm>> -> memref<512x128xf32, #tpu.memory_space<hbm>>
      tpu.wait_dma2 semaphore(%run_scoped3A : memref<!tpu.dma_semaphore, #tpu.memory_space<semaphore_mem>>) src(%arg6 : memref<512x128xf32, #tpu.memory_space<vmem>>) dst(%dma_wait3A_136 : memref<512x128xf32, #tpu.memory_space<hbm>>)
      tpu.yield
    }) : () -> ()
    %add3A_97 = arith.constant 6144 : i32
    %add3A_98 = arith.addi %mul3A_2, %add3A_97 : i32
    "tpu.region"() ({
      %run_scoped3A = tpu.sem_alloc : memref<!tpu.dma_semaphore, #tpu.memory_space<semaphore_mem>>
      %dma_start3A_129 = tpu.memref_slice %arg3[%add3A_98] : memref<262144xi32, #tpu.memory_space<hbm>> -> memref<512xi32, #tpu.memory_space<hbm>>
      %dma_start3A_130 = tpu.memref_slice %arg3[%add3A_98] : memref<262144xi32, #tpu.memory_space<hbm>> -> memref<512xi32, #tpu.memory_space<hbm>>
      tpu.enqueue_dma source(%dma_start3A_130 : memref<512xi32, #tpu.memory_space<hbm>>) target(%arg5 : memref<512xi32, #tpu.memory_space<vmem>>) target_semaphore(%run_scoped3A : memref<!tpu.dma_semaphore, #tpu.memory_space<semaphore_mem>>)
      %dma_wait3A_131 = tpu.memref_slice %arg3[%add3A_98] : memref<262144xi32, #tpu.memory_space<hbm>> -> memref<512xi32, #tpu.memory_space<hbm>>
      %dma_wait3A_132 = tpu.memref_slice %arg3[%add3A_98] : memref<262144xi32, #tpu.memory_space<hbm>> -> memref<512xi32, #tpu.memory_space<hbm>>
      tpu.wait_dma2 semaphore(%run_scoped3A : memref<!tpu.dma_semaphore, #tpu.memory_space<semaphore_mem>>) src(%dma_wait3A_132 : memref<512xi32, #tpu.memory_space<hbm>>) dst(%arg5 : memref<512xi32, #tpu.memory_space<vmem>>)
      tpu.yield
    }) : () -> ()
    %dma_start3A_99 = arith.constant 0 : i32
    %dma_start3A_100 = arith.constant 0 : i32
    %dma_start3A_101 = tpu.memref_slice %arg2[%dma_start3A_99, %dma_start3A_100] : memref<16384x128xf32, #tpu.memory_space<hbm>> -> memref<16384x128xf32, #tpu.memory_space<hbm>>
    tpu.enqueue_indirect_dma source(%dma_start3A_101 : memref<16384x128xf32, #tpu.memory_space<hbm>>) target(%arg6 : memref<512x128xf32, #tpu.memory_space<vmem>>) offsets(%arg5 : memref<512xi32, #tpu.memory_space<vmem>>) semaphore(%arg7 : memref<!tpu.dma_semaphore, #tpu.memory_space<semaphore_mem>>)
    %dma_wait3A_102 = arith.constant 0 : i32
    %dma_wait3A_103 = arith.constant 0 : i32
    %dma_wait3A_104 = tpu.memref_slice %arg2[%dma_wait3A_102, %dma_wait3A_103] : memref<16384x128xf32, #tpu.memory_space<hbm>> -> memref<16384x128xf32, #tpu.memory_space<hbm>>
    tpu.wait_indirect_dma semaphore(%arg7 : memref<!tpu.dma_semaphore, #tpu.memory_space<semaphore_mem>>) src(%dma_wait3A_104 : memref<16384x128xf32, #tpu.memory_space<hbm>>) dst(%arg6 : memref<512x128xf32, #tpu.memory_space<vmem>>)
    "tpu.region"() ({
      %run_scoped3A = tpu.sem_alloc : memref<!tpu.dma_semaphore, #tpu.memory_space<semaphore_mem>>
      %dma_start3A_129 = arith.constant 0 : i32
      %dma_start3A_130 = tpu.memref_slice %arg4[%add3A_98, %dma_start3A_129] : memref<262144x128xf32, #tpu.memory_space<hbm>> -> memref<512x128xf32, #tpu.memory_space<hbm>>
      %dma_start3A_131 = arith.constant 0 : i32
      %dma_start3A_132 = tpu.memref_slice %arg4[%add3A_98, %dma_start3A_131] : memref<262144x128xf32, #tpu.memory_space<hbm>> -> memref<512x128xf32, #tpu.memory_space<hbm>>
      tpu.enqueue_dma source(%arg6 : memref<512x128xf32, #tpu.memory_space<vmem>>) target(%dma_start3A_132 : memref<512x128xf32, #tpu.memory_space<hbm>>) target_semaphore(%run_scoped3A : memref<!tpu.dma_semaphore, #tpu.memory_space<semaphore_mem>>)
      %dma_wait3A_133 = arith.constant 0 : i32
      %dma_wait3A_134 = tpu.memref_slice %arg4[%add3A_98, %dma_wait3A_133] : memref<262144x128xf32, #tpu.memory_space<hbm>> -> memref<512x128xf32, #tpu.memory_space<hbm>>
      %dma_wait3A_135 = arith.constant 0 : i32
      %dma_wait3A_136 = tpu.memref_slice %arg4[%add3A_98, %dma_wait3A_135] : memref<262144x128xf32, #tpu.memory_space<hbm>> -> memref<512x128xf32, #tpu.memory_space<hbm>>
      tpu.wait_dma2 semaphore(%run_scoped3A : memref<!tpu.dma_semaphore, #tpu.memory_space<semaphore_mem>>) src(%arg6 : memref<512x128xf32, #tpu.memory_space<vmem>>) dst(%dma_wait3A_136 : memref<512x128xf32, #tpu.memory_space<hbm>>)
      tpu.yield
    }) : () -> ()
    %add3A_105 = arith.constant 6656 : i32
    %add3A_106 = arith.addi %mul3A_2, %add3A_105 : i32
    "tpu.region"() ({
      %run_scoped3A = tpu.sem_alloc : memref<!tpu.dma_semaphore, #tpu.memory_space<semaphore_mem>>
      %dma_start3A_129 = tpu.memref_slice %arg3[%add3A_106] : memref<262144xi32, #tpu.memory_space<hbm>> -> memref<512xi32, #tpu.memory_space<hbm>>
      %dma_start3A_130 = tpu.memref_slice %arg3[%add3A_106] : memref<262144xi32, #tpu.memory_space<hbm>> -> memref<512xi32, #tpu.memory_space<hbm>>
      tpu.enqueue_dma source(%dma_start3A_130 : memref<512xi32, #tpu.memory_space<hbm>>) target(%arg5 : memref<512xi32, #tpu.memory_space<vmem>>) target_semaphore(%run_scoped3A : memref<!tpu.dma_semaphore, #tpu.memory_space<semaphore_mem>>)
      %dma_wait3A_131 = tpu.memref_slice %arg3[%add3A_106] : memref<262144xi32, #tpu.memory_space<hbm>> -> memref<512xi32, #tpu.memory_space<hbm>>
      %dma_wait3A_132 = tpu.memref_slice %arg3[%add3A_106] : memref<262144xi32, #tpu.memory_space<hbm>> -> memref<512xi32, #tpu.memory_space<hbm>>
      tpu.wait_dma2 semaphore(%run_scoped3A : memref<!tpu.dma_semaphore, #tpu.memory_space<semaphore_mem>>) src(%dma_wait3A_132 : memref<512xi32, #tpu.memory_space<hbm>>) dst(%arg5 : memref<512xi32, #tpu.memory_space<vmem>>)
      tpu.yield
    }) : () -> ()
    %dma_start3A_107 = arith.constant 0 : i32
    %dma_start3A_108 = arith.constant 0 : i32
    %dma_start3A_109 = tpu.memref_slice %arg2[%dma_start3A_107, %dma_start3A_108] : memref<16384x128xf32, #tpu.memory_space<hbm>> -> memref<16384x128xf32, #tpu.memory_space<hbm>>
    tpu.enqueue_indirect_dma source(%dma_start3A_109 : memref<16384x128xf32, #tpu.memory_space<hbm>>) target(%arg6 : memref<512x128xf32, #tpu.memory_space<vmem>>) offsets(%arg5 : memref<512xi32, #tpu.memory_space<vmem>>) semaphore(%arg7 : memref<!tpu.dma_semaphore, #tpu.memory_space<semaphore_mem>>)
    %dma_wait3A_110 = arith.constant 0 : i32
    %dma_wait3A_111 = arith.constant 0 : i32
    %dma_wait3A_112 = tpu.memref_slice %arg2[%dma_wait3A_110, %dma_wait3A_111] : memref<16384x128xf32, #tpu.memory_space<hbm>> -> memref<16384x128xf32, #tpu.memory_space<hbm>>
    tpu.wait_indirect_dma semaphore(%arg7 : memref<!tpu.dma_semaphore, #tpu.memory_space<semaphore_mem>>) src(%dma_wait3A_112 : memref<16384x128xf32, #tpu.memory_space<hbm>>) dst(%arg6 : memref<512x128xf32, #tpu.memory_space<vmem>>)
    "tpu.region"() ({
      %run_scoped3A = tpu.sem_alloc : memref<!tpu.dma_semaphore, #tpu.memory_space<semaphore_mem>>
      %dma_start3A_129 = arith.constant 0 : i32
      %dma_start3A_130 = tpu.memref_slice %arg4[%add3A_106, %dma_start3A_129] : memref<262144x128xf32, #tpu.memory_space<hbm>> -> memref<512x128xf32, #tpu.memory_space<hbm>>
      %dma_start3A_131 = arith.constant 0 : i32
      %dma_start3A_132 = tpu.memref_slice %arg4[%add3A_106, %dma_start3A_131] : memref<262144x128xf32, #tpu.memory_space<hbm>> -> memref<512x128xf32, #tpu.memory_space<hbm>>
      tpu.enqueue_dma source(%arg6 : memref<512x128xf32, #tpu.memory_space<vmem>>) target(%dma_start3A_132 : memref<512x128xf32, #tpu.memory_space<hbm>>) target_semaphore(%run_scoped3A : memref<!tpu.dma_semaphore, #tpu.memory_space<semaphore_mem>>)
      %dma_wait3A_133 = arith.constant 0 : i32
      %dma_wait3A_134 = tpu.memref_slice %arg4[%add3A_106, %dma_wait3A_133] : memref<262144x128xf32, #tpu.memory_space<hbm>> -> memref<512x128xf32, #tpu.memory_space<hbm>>
      %dma_wait3A_135 = arith.constant 0 : i32
      %dma_wait3A_136 = tpu.memref_slice %arg4[%add3A_106, %dma_wait3A_135] : memref<262144x128xf32, #tpu.memory_space<hbm>> -> memref<512x128xf32, #tpu.memory_space<hbm>>
      tpu.wait_dma2 semaphore(%run_scoped3A : memref<!tpu.dma_semaphore, #tpu.memory_space<semaphore_mem>>) src(%arg6 : memref<512x128xf32, #tpu.memory_space<vmem>>) dst(%dma_wait3A_136 : memref<512x128xf32, #tpu.memory_space<hbm>>)
      tpu.yield
    }) : () -> ()
    %add3A_113 = arith.constant 7168 : i32
    %add3A_114 = arith.addi %mul3A_2, %add3A_113 : i32
    "tpu.region"() ({
      %run_scoped3A = tpu.sem_alloc : memref<!tpu.dma_semaphore, #tpu.memory_space<semaphore_mem>>
      %dma_start3A_129 = tpu.memref_slice %arg3[%add3A_114] : memref<262144xi32, #tpu.memory_space<hbm>> -> memref<512xi32, #tpu.memory_space<hbm>>
      %dma_start3A_130 = tpu.memref_slice %arg3[%add3A_114] : memref<262144xi32, #tpu.memory_space<hbm>> -> memref<512xi32, #tpu.memory_space<hbm>>
      tpu.enqueue_dma source(%dma_start3A_130 : memref<512xi32, #tpu.memory_space<hbm>>) target(%arg5 : memref<512xi32, #tpu.memory_space<vmem>>) target_semaphore(%run_scoped3A : memref<!tpu.dma_semaphore, #tpu.memory_space<semaphore_mem>>)
      %dma_wait3A_131 = tpu.memref_slice %arg3[%add3A_114] : memref<262144xi32, #tpu.memory_space<hbm>> -> memref<512xi32, #tpu.memory_space<hbm>>
      %dma_wait3A_132 = tpu.memref_slice %arg3[%add3A_114] : memref<262144xi32, #tpu.memory_space<hbm>> -> memref<512xi32, #tpu.memory_space<hbm>>
      tpu.wait_dma2 semaphore(%run_scoped3A : memref<!tpu.dma_semaphore, #tpu.memory_space<semaphore_mem>>) src(%dma_wait3A_132 : memref<512xi32, #tpu.memory_space<hbm>>) dst(%arg5 : memref<512xi32, #tpu.memory_space<vmem>>)
      tpu.yield
    }) : () -> ()
    %dma_start3A_115 = arith.constant 0 : i32
    %dma_start3A_116 = arith.constant 0 : i32
    %dma_start3A_117 = tpu.memref_slice %arg2[%dma_start3A_115, %dma_start3A_116] : memref<16384x128xf32, #tpu.memory_space<hbm>> -> memref<16384x128xf32, #tpu.memory_space<hbm>>
    tpu.enqueue_indirect_dma source(%dma_start3A_117 : memref<16384x128xf32, #tpu.memory_space<hbm>>) target(%arg6 : memref<512x128xf32, #tpu.memory_space<vmem>>) offsets(%arg5 : memref<512xi32, #tpu.memory_space<vmem>>) semaphore(%arg7 : memref<!tpu.dma_semaphore, #tpu.memory_space<semaphore_mem>>)
    %dma_wait3A_118 = arith.constant 0 : i32
    %dma_wait3A_119 = arith.constant 0 : i32
    %dma_wait3A_120 = tpu.memref_slice %arg2[%dma_wait3A_118, %dma_wait3A_119] : memref<16384x128xf32, #tpu.memory_space<hbm>> -> memref<16384x128xf32, #tpu.memory_space<hbm>>
    tpu.wait_indirect_dma semaphore(%arg7 : memref<!tpu.dma_semaphore, #tpu.memory_space<semaphore_mem>>) src(%dma_wait3A_120 : memref<16384x128xf32, #tpu.memory_space<hbm>>) dst(%arg6 : memref<512x128xf32, #tpu.memory_space<vmem>>)
    "tpu.region"() ({
      %run_scoped3A = tpu.sem_alloc : memref<!tpu.dma_semaphore, #tpu.memory_space<semaphore_mem>>
      %dma_start3A_129 = arith.constant 0 : i32
      %dma_start3A_130 = tpu.memref_slice %arg4[%add3A_114, %dma_start3A_129] : memref<262144x128xf32, #tpu.memory_space<hbm>> -> memref<512x128xf32, #tpu.memory_space<hbm>>
      %dma_start3A_131 = arith.constant 0 : i32
      %dma_start3A_132 = tpu.memref_slice %arg4[%add3A_114, %dma_start3A_131] : memref<262144x128xf32, #tpu.memory_space<hbm>> -> memref<512x128xf32, #tpu.memory_space<hbm>>
      tpu.enqueue_dma source(%arg6 : memref<512x128xf32, #tpu.memory_space<vmem>>) target(%dma_start3A_132 : memref<512x128xf32, #tpu.memory_space<hbm>>) target_semaphore(%run_scoped3A : memref<!tpu.dma_semaphore, #tpu.memory_space<semaphore_mem>>)
      %dma_wait3A_133 = arith.constant 0 : i32
      %dma_wait3A_134 = tpu.memref_slice %arg4[%add3A_114, %dma_wait3A_133] : memref<262144x128xf32, #tpu.memory_space<hbm>> -> memref<512x128xf32, #tpu.memory_space<hbm>>
      %dma_wait3A_135 = arith.constant 0 : i32
      %dma_wait3A_136 = tpu.memref_slice %arg4[%add3A_114, %dma_wait3A_135] : memref<262144x128xf32, #tpu.memory_space<hbm>> -> memref<512x128xf32, #tpu.memory_space<hbm>>
      tpu.wait_dma2 semaphore(%run_scoped3A : memref<!tpu.dma_semaphore, #tpu.memory_space<semaphore_mem>>) src(%arg6 : memref<512x128xf32, #tpu.memory_space<vmem>>) dst(%dma_wait3A_136 : memref<512x128xf32, #tpu.memory_space<hbm>>)
      tpu.yield
    }) : () -> ()
    %add3A_121 = arith.constant 7680 : i32
    %add3A_122 = arith.addi %mul3A_2, %add3A_121 : i32
    "tpu.region"() ({
      %run_scoped3A = tpu.sem_alloc : memref<!tpu.dma_semaphore, #tpu.memory_space<semaphore_mem>>
      %dma_start3A_129 = tpu.memref_slice %arg3[%add3A_122] : memref<262144xi32, #tpu.memory_space<hbm>> -> memref<512xi32, #tpu.memory_space<hbm>>
      %dma_start3A_130 = tpu.memref_slice %arg3[%add3A_122] : memref<262144xi32, #tpu.memory_space<hbm>> -> memref<512xi32, #tpu.memory_space<hbm>>
      tpu.enqueue_dma source(%dma_start3A_130 : memref<512xi32, #tpu.memory_space<hbm>>) target(%arg5 : memref<512xi32, #tpu.memory_space<vmem>>) target_semaphore(%run_scoped3A : memref<!tpu.dma_semaphore, #tpu.memory_space<semaphore_mem>>)
      %dma_wait3A_131 = tpu.memref_slice %arg3[%add3A_122] : memref<262144xi32, #tpu.memory_space<hbm>> -> memref<512xi32, #tpu.memory_space<hbm>>
      %dma_wait3A_132 = tpu.memref_slice %arg3[%add3A_122] : memref<262144xi32, #tpu.memory_space<hbm>> -> memref<512xi32, #tpu.memory_space<hbm>>
      tpu.wait_dma2 semaphore(%run_scoped3A : memref<!tpu.dma_semaphore, #tpu.memory_space<semaphore_mem>>) src(%dma_wait3A_132 : memref<512xi32, #tpu.memory_space<hbm>>) dst(%arg5 : memref<512xi32, #tpu.memory_space<vmem>>)
      tpu.yield
    }) : () -> ()
    %dma_start3A_123 = arith.constant 0 : i32
    %dma_start3A_124 = arith.constant 0 : i32
    %dma_start3A_125 = tpu.memref_slice %arg2[%dma_start3A_123, %dma_start3A_124] : memref<16384x128xf32, #tpu.memory_space<hbm>> -> memref<16384x128xf32, #tpu.memory_space<hbm>>
    tpu.enqueue_indirect_dma source(%dma_start3A_125 : memref<16384x128xf32, #tpu.memory_space<hbm>>) target(%arg6 : memref<512x128xf32, #tpu.memory_space<vmem>>) offsets(%arg5 : memref<512xi32, #tpu.memory_space<vmem>>) semaphore(%arg7 : memref<!tpu.dma_semaphore, #tpu.memory_space<semaphore_mem>>)
    %dma_wait3A_126 = arith.constant 0 : i32
    %dma_wait3A_127 = arith.constant 0 : i32
    %dma_wait3A_128 = tpu.memref_slice %arg2[%dma_wait3A_126, %dma_wait3A_127] : memref<16384x128xf32, #tpu.memory_space<hbm>> -> memref<16384x128xf32, #tpu.memory_space<hbm>>
    tpu.wait_indirect_dma semaphore(%arg7 : memref<!tpu.dma_semaphore, #tpu.memory_space<semaphore_mem>>) src(%dma_wait3A_128 : memref<16384x128xf32, #tpu.memory_space<hbm>>) dst(%arg6 : memref<512x128xf32, #tpu.memory_space<vmem>>)
    "tpu.region"() ({
      %run_scoped3A = tpu.sem_alloc : memref<!tpu.dma_semaphore, #tpu.memory_space<semaphore_mem>>
      %dma_start3A_129 = arith.constant 0 : i32
      %dma_start3A_130 = tpu.memref_slice %arg4[%add3A_122, %dma_start3A_129] : memref<262144x128xf32, #tpu.memory_space<hbm>> -> memref<512x128xf32, #tpu.memory_space<hbm>>
      %dma_start3A_131 = arith.constant 0 : i32
      %dma_start3A_132 = tpu.memref_slice %arg4[%add3A_122, %dma_start3A_131] : memref<262144x128xf32, #tpu.memory_space<hbm>> -> memref<512x128xf32, #tpu.memory_space<hbm>>
      tpu.enqueue_dma source(%arg6 : memref<512x128xf32, #tpu.memory_space<vmem>>) target(%dma_start3A_132 : memref<512x128xf32, #tpu.memory_space<hbm>>) target_semaphore(%run_scoped3A : memref<!tpu.dma_semaphore, #tpu.memory_space<semaphore_mem>>)
      %dma_wait3A_133 = arith.constant 0 : i32
      %dma_wait3A_134 = tpu.memref_slice %arg4[%add3A_122, %dma_wait3A_133] : memref<262144x128xf32, #tpu.memory_space<hbm>> -> memref<512x128xf32, #tpu.memory_space<hbm>>
      %dma_wait3A_135 = arith.constant 0 : i32
      %dma_wait3A_136 = tpu.memref_slice %arg4[%add3A_122, %dma_wait3A_135] : memref<262144x128xf32, #tpu.memory_space<hbm>> -> memref<512x128xf32, #tpu.memory_space<hbm>>
      tpu.wait_dma2 semaphore(%run_scoped3A : memref<!tpu.dma_semaphore, #tpu.memory_space<semaphore_mem>>) src(%arg6 : memref<512x128xf32, #tpu.memory_space<vmem>>) dst(%dma_wait3A_136 : memref<512x128xf32, #tpu.memory_space<hbm>>)
      tpu.yield
    }) : () -> ()
    return
  }
}

module attributes {stable_mosaic.version = 14 : i64} {
  func.func @_fps_kernel(%arg0: memref<128x128xf32, #tpu.memory_space<vmem>>, %arg1: memref<128x128xf32, #tpu.memory_space<vmem>>, %arg2: memref<128x128xf32, #tpu.memory_space<vmem>>, %arg3: memref<16384xf32, #tpu.memory_space<smem>>, %arg4: memref<16384xf32, #tpu.memory_space<smem>>, %arg5: memref<16384xf32, #tpu.memory_space<smem>>, %arg6: memref<8192xi32, #tpu.memory_space<smem>>) attributes {dimension_semantics = [], scalar_prefetch = 0 : i64, scratch_operands = 0 : i64, tpu.core_type = #tpu.core_type<tc>} {
    %iota3A = tpu.iota {dimensions = array<i32: 0>} : vector<128x128xi32>
    %iota3A_0 = tpu.iota {dimensions = array<i32: 1>} : vector<128x128xi32>
    %mul3A = arith.constant 128 : i32
    %mul3A_1 = vector.broadcast %mul3A : i32 to vector<128x128xi32>
    %mul3A_2 = arith.muli %iota3A, %mul3A_1 : vector<128x128xi32>
    %add3A = arith.addi %mul3A_2, %iota3A_0 : vector<128x128xi32>
    %get3A = arith.constant 0 : index
    %get3A_3 = arith.constant 0 : index
    %get3A_4 = vector.load %arg0[%get3A, %get3A_3] : memref<128x128xf32, #tpu.memory_space<vmem>>, vector<128x128xf32>
    %get3A_5 = arith.constant 0 : index
    %get3A_6 = arith.constant 0 : index
    %get3A_7 = vector.load %arg1[%get3A_5, %get3A_6] : memref<128x128xf32, #tpu.memory_space<vmem>>, vector<128x128xf32>
    %get3A_8 = arith.constant 0 : index
    %get3A_9 = arith.constant 0 : index
    %get3A_10 = vector.load %arg2[%get3A_8, %get3A_9] : memref<128x128xf32, #tpu.memory_space<vmem>>, vector<128x128xf32>
    %swap3A = arith.constant 0 : i32
    %swap3A_11 = arith.constant 0 : index
    %swap3A_12 = memref.load %arg6[%swap3A_11] : memref<8192xi32, #tpu.memory_space<smem>>
    memref.store %swap3A, %arg6[%swap3A_11] : memref<8192xi32, #tpu.memory_space<smem>>
    %broadcast_in_dim3A = arith.constant 0x7F800000 : f32
    %broadcast_in_dim3A_13 = vector.broadcast %broadcast_in_dim3A : f32 to vector<128x128xf32>
    %scan3A = arith.constant 0 : i32
    %scan3A_14 = arith.constant 0 : i32
    %scan3A_15 = arith.constant 4096 : i32
    %scan3A_16 = arith.addi %scan3A_14, %scan3A_15 : i32
    %scan3A_17 = arith.constant 1 : i32
    %scan3A_18:2 = scf.for %scan3A_20 = %scan3A_14 to %scan3A_16 step %scan3A_17 iter_args(%scan3A_21 = %scan3A, %scan3A_22 = %broadcast_in_dim3A_13) -> (i32, vector<128x128xf32>)  : i32 {
      %mul3A_23 = arith.constant 2 : i32
      %mul3A_24 = arith.muli %mul3A_23, %scan3A_20 : i32
      %add3A_25 = arith.constant 1 : i32
      %add3A_26 = arith.addi %mul3A_24, %add3A_25 : i32
      %get3A_27 = arith.index_cast %scan3A_21 : i32 to index
      %get3A_28 = memref.load %arg3[%get3A_27] : memref<16384xf32, #tpu.memory_space<smem>>
      %get3A_29 = arith.index_cast %scan3A_21 : i32 to index
      %get3A_30 = memref.load %arg4[%get3A_29] : memref<16384xf32, #tpu.memory_space<smem>>
      %get3A_31 = arith.index_cast %scan3A_21 : i32 to index
      %get3A_32 = memref.load %arg5[%get3A_31] : memref<16384xf32, #tpu.memory_space<smem>>
      %sub3A = vector.broadcast %get3A_28 : f32 to vector<128x128xf32>
      %sub3A_33 = arith.subf %get3A_4, %sub3A : vector<128x128xf32>
      %sub3A_34 = vector.broadcast %get3A_30 : f32 to vector<128x128xf32>
      %sub3A_35 = arith.subf %get3A_7, %sub3A_34 : vector<128x128xf32>
      %sub3A_36 = vector.broadcast %get3A_32 : f32 to vector<128x128xf32>
      %sub3A_37 = arith.subf %get3A_10, %sub3A_36 : vector<128x128xf32>
      %mul3A_38 = arith.mulf %sub3A_33, %sub3A_33 : vector<128x128xf32>
      %mul3A_39 = arith.mulf %sub3A_37, %sub3A_37 : vector<128x128xf32>
      %add3A_40 = arith.addf %mul3A_38, %mul3A_39 : vector<128x128xf32>
      %mul3A_41 = arith.mulf %sub3A_35, %sub3A_35 : vector<128x128xf32>
      %add3A_42 = arith.addf %add3A_40, %mul3A_41 : vector<128x128xf32>
      %min3A = arith.minimumf %scan3A_22, %add3A_42 : vector<128x128xf32>
      %reduce_max3A = vector.shape_cast %min3A : vector<128x128xf32> to vector<1x128x128xf32>
      %reduce_max3A_43 = arith.constant dense<0xFF800000> : vector<1xf32>
      %reduce_max3A_44 = vector.multi_reduction <maximumf>, %reduce_max3A, %reduce_max3A_43 [1, 2] : vector<1x128x128xf32> to vector<1xf32>
      %reduce_max3A_45 = vector.shape_cast %reduce_max3A_44 : vector<1xf32> to vector<1x1x1xf32>
      %reduce_max3A_46 = vector.extract %reduce_max3A_45[0, 0, 0] : f32 from vector<1x1x1xf32>
      %eq3A = vector.broadcast %reduce_max3A_46 : f32 to vector<128x128xf32>
      %eq3A_47 = arith.cmpf oeq, %min3A, %eq3A : vector<128x128xf32>
      %jit3A = arith.constant 16384 : i32
      %broadcast_in_dim3A_48 = vector.broadcast %jit3A : i32 to vector<128x128xi32>
      %select_n3A = arith.select %eq3A_47, %add3A, %broadcast_in_dim3A_48 : vector<128x128xi1>, vector<128x128xi32>
      %reduce_min3A = vector.shape_cast %select_n3A : vector<128x128xi32> to vector<1x128x128xi32>
      %reduce_min3A_49 = arith.constant dense<2147483647> : vector<1xi32>
      %reduce_min3A_50 = vector.multi_reduction <minsi>, %reduce_min3A, %reduce_min3A_49 [1, 2] : vector<1x128x128xi32> to vector<1xi32>
      %reduce_min3A_51 = vector.shape_cast %reduce_min3A_50 : vector<1xi32> to vector<1x1x1xi32>
      %reduce_min3A_52 = vector.extract %reduce_min3A_51[0, 0, 0] : i32 from vector<1x1x1xi32>
      %lt3A = arith.constant 8192 : i32
      %lt3A_53 = arith.cmpi slt, %add3A_26, %lt3A : i32
      %convert_element_type3A = arith.extui %lt3A_53 : i1 to i32
      %cond3A = arith.constant 0 : i32
      %cond3A_54 = arith.cmpi ne, %convert_element_type3A, %cond3A : i32
      scf.if %cond3A_54 {
        %swap3A_97 = arith.index_cast %add3A_26 : i32 to index
        %swap3A_98 = memref.load %arg6[%swap3A_97] : memref<8192xi32, #tpu.memory_space<smem>>
        memref.store %reduce_min3A_52, %arg6[%swap3A_97] : memref<8192xi32, #tpu.memory_space<smem>>
      } else {
      }
      %mul3A_55 = arith.constant 2 : i32
      %mul3A_56 = arith.muli %mul3A_55, %scan3A_20 : i32
      %add3A_57 = arith.constant 2 : i32
      %add3A_58 = arith.addi %mul3A_56, %add3A_57 : i32
      %get3A_59 = arith.index_cast %reduce_min3A_52 : i32 to index
      %get3A_60 = memref.load %arg3[%get3A_59] : memref<16384xf32, #tpu.memory_space<smem>>
      %get3A_61 = arith.index_cast %reduce_min3A_52 : i32 to index
      %get3A_62 = memref.load %arg4[%get3A_61] : memref<16384xf32, #tpu.memory_space<smem>>
      %get3A_63 = arith.index_cast %reduce_min3A_52 : i32 to index
      %get3A_64 = memref.load %arg5[%get3A_63] : memref<16384xf32, #tpu.memory_space<smem>>
      %sub3A_65 = vector.broadcast %get3A_60 : f32 to vector<128x128xf32>
      %sub3A_66 = arith.subf %get3A_4, %sub3A_65 : vector<128x128xf32>
      %sub3A_67 = vector.broadcast %get3A_62 : f32 to vector<128x128xf32>
      %sub3A_68 = arith.subf %get3A_7, %sub3A_67 : vector<128x128xf32>
      %sub3A_69 = vector.broadcast %get3A_64 : f32 to vector<128x128xf32>
      %sub3A_70 = arith.subf %get3A_10, %sub3A_69 : vector<128x128xf32>
      %mul3A_71 = arith.mulf %sub3A_66, %sub3A_66 : vector<128x128xf32>
      %mul3A_72 = arith.mulf %sub3A_70, %sub3A_70 : vector<128x128xf32>
      %add3A_73 = arith.addf %mul3A_71, %mul3A_72 : vector<128x128xf32>
      %mul3A_74 = arith.mulf %sub3A_68, %sub3A_68 : vector<128x128xf32>
      %add3A_75 = arith.addf %add3A_73, %mul3A_74 : vector<128x128xf32>
      %min3A_76 = arith.minimumf %min3A, %add3A_75 : vector<128x128xf32>
      %reduce_max3A_77 = vector.shape_cast %min3A_76 : vector<128x128xf32> to vector<1x128x128xf32>
      %reduce_max3A_78 = arith.constant dense<0xFF800000> : vector<1xf32>
      %reduce_max3A_79 = vector.multi_reduction <maximumf>, %reduce_max3A_77, %reduce_max3A_78 [1, 2] : vector<1x128x128xf32> to vector<1xf32>
      %reduce_max3A_80 = vector.shape_cast %reduce_max3A_79 : vector<1xf32> to vector<1x1x1xf32>
      %reduce_max3A_81 = vector.extract %reduce_max3A_80[0, 0, 0] : f32 from vector<1x1x1xf32>
      %eq3A_82 = vector.broadcast %reduce_max3A_81 : f32 to vector<128x128xf32>
      %eq3A_83 = arith.cmpf oeq, %min3A_76, %eq3A_82 : vector<128x128xf32>
      %jit3A_84 = arith.constant 16384 : i32
      %broadcast_in_dim3A_85 = vector.broadcast %jit3A_84 : i32 to vector<128x128xi32>
      %select_n3A_86 = arith.select %eq3A_83, %add3A, %broadcast_in_dim3A_85 : vector<128x128xi1>, vector<128x128xi32>
      %reduce_min3A_87 = vector.shape_cast %select_n3A_86 : vector<128x128xi32> to vector<1x128x128xi32>
      %reduce_min3A_88 = arith.constant dense<2147483647> : vector<1xi32>
      %reduce_min3A_89 = vector.multi_reduction <minsi>, %reduce_min3A_87, %reduce_min3A_88 [1, 2] : vector<1x128x128xi32> to vector<1xi32>
      %reduce_min3A_90 = vector.shape_cast %reduce_min3A_89 : vector<1xi32> to vector<1x1x1xi32>
      %reduce_min3A_91 = vector.extract %reduce_min3A_90[0, 0, 0] : i32 from vector<1x1x1xi32>
      %lt3A_92 = arith.constant 8192 : i32
      %lt3A_93 = arith.cmpi slt, %add3A_58, %lt3A_92 : i32
      %convert_element_type3A_94 = arith.extui %lt3A_93 : i1 to i32
      %cond3A_95 = arith.constant 0 : i32
      %cond3A_96 = arith.cmpi ne, %convert_element_type3A_94, %cond3A_95 : i32
      scf.if %cond3A_96 {
        %swap3A_97 = arith.index_cast %add3A_58 : i32 to index
        %swap3A_98 = memref.load %arg6[%swap3A_97] : memref<8192xi32, #tpu.memory_space<smem>>
        memref.store %reduce_min3A_91, %arg6[%swap3A_97] : memref<8192xi32, #tpu.memory_space<smem>>
      } else {
      }
      scf.yield %reduce_min3A_91, %min3A_76 : i32, vector<128x128xf32>
    }
    %scan3A_19 = arith.constant 4096 : i32
    return
  }
}

module attributes {stable_mosaic.version = 14 : i64} {
  func.func @_select_kernel(%arg0: i32, %arg1: memref<64x1xf32, #tpu.memory_space<vmem>>, %arg2: memref<64x1xf32, #tpu.memory_space<vmem>>, %arg3: memref<64x1xf32, #tpu.memory_space<vmem>>, %arg4: memref<128x128xf32, #tpu.memory_space<vmem>>, %arg5: memref<128x128xf32, #tpu.memory_space<vmem>>, %arg6: memref<128x128xf32, #tpu.memory_space<vmem>>, %arg7: memref<64x32xi32, #tpu.memory_space<vmem>>, %arg8: memref<64x32xi32, #tpu.memory_space<vmem>>) attributes {dimension_semantics = [#tpu.dimension_semantics<arbitrary>], iteration_bounds = array<i64: 128>, scalar_prefetch = 0 : i64, scratch_operands = 0 : i64, tpu.core_type = #tpu.core_type<tc>, window_params = [{transform_indices = @transform_0, window_bounds = array<i64: 64, 1>}, {transform_indices = @transform_1, window_bounds = array<i64: 64, 1>}, {transform_indices = @transform_2, window_bounds = array<i64: 64, 1>}, {pipeline_mode = #tpu.pipeline_mode<synchronous>, transform_indices = @transform_3, window_bounds = array<i64: 128, 128>}, {pipeline_mode = #tpu.pipeline_mode<synchronous>, transform_indices = @transform_4, window_bounds = array<i64: 128, 128>}, {pipeline_mode = #tpu.pipeline_mode<synchronous>, transform_indices = @transform_5, window_bounds = array<i64: 128, 128>}, {transform_indices = @transform_6, window_bounds = array<i64: 64, 32>}, {transform_indices = @transform_7, window_bounds = array<i64: 64, 32>}]} {
    %get3A = arith.constant 0 : index
    %get3A_0 = arith.constant 0 : index
    %get3A_1 = vector.load %arg1[%get3A, %get3A_0] : memref<64x1xf32, #tpu.memory_space<vmem>>, vector<64x1xf32>
    %reshape3A = vector.shape_cast %get3A_1 : vector<64x1xf32> to vector<64x1x1xf32>
    %get3A_2 = arith.constant 0 : index
    %get3A_3 = arith.constant 0 : index
    %get3A_4 = vector.load %arg2[%get3A_2, %get3A_3] : memref<64x1xf32, #tpu.memory_space<vmem>>, vector<64x1xf32>
    %reshape3A_5 = vector.shape_cast %get3A_4 : vector<64x1xf32> to vector<64x1x1xf32>
    %get3A_6 = arith.constant 0 : index
    %get3A_7 = arith.constant 0 : index
    %get3A_8 = vector.load %arg3[%get3A_6, %get3A_7] : memref<64x1xf32, #tpu.memory_space<vmem>>, vector<64x1xf32>
    %reshape3A_9 = vector.shape_cast %get3A_8 : vector<64x1xf32> to vector<64x1x1xf32>
    %get3A_10 = arith.constant 0 : index
    %get3A_11 = arith.constant 0 : index
    %get3A_12 = vector.load %arg4[%get3A_10, %get3A_11] : memref<128x128xf32, #tpu.memory_space<vmem>>, vector<128x128xf32>
    %reshape3A_13 = vector.shape_cast %get3A_12 : vector<128x128xf32> to vector<1x128x128xf32>
    %get3A_14 = arith.constant 0 : index
    %get3A_15 = arith.constant 0 : index
    %get3A_16 = vector.load %arg5[%get3A_14, %get3A_15] : memref<128x128xf32, #tpu.memory_space<vmem>>, vector<128x128xf32>
    %reshape3A_17 = vector.shape_cast %get3A_16 : vector<128x128xf32> to vector<1x128x128xf32>
    %get3A_18 = arith.constant 0 : index
    %get3A_19 = arith.constant 0 : index
    %get3A_20 = vector.load %arg6[%get3A_18, %get3A_19] : memref<128x128xf32, #tpu.memory_space<vmem>>, vector<128x128xf32>
    %reshape3A_21 = vector.shape_cast %get3A_20 : vector<128x128xf32> to vector<1x128x128xf32>
    %iota3A = tpu.iota {dimensions = array<i32: 2>} : vector<64x128x128xi32>
    %iota3A_22 = tpu.iota {dimensions = array<i32: 1>} : vector<64x128xi32>
    %iota3A_23 = tpu.iota {dimensions = array<i32: 1>} : vector<64x32xi32>
    %sub3A = vector.broadcast %reshape3A : vector<64x1x1xf32> to vector<64x128x128xf32>
    %sub3A_24 = vector.broadcast %reshape3A_13 : vector<1x128x128xf32> to vector<64x128x128xf32>
    %sub3A_25 = arith.subf %sub3A, %sub3A_24 : vector<64x128x128xf32>
    %sub3A_26 = vector.broadcast %reshape3A_5 : vector<64x1x1xf32> to vector<64x128x128xf32>
    %sub3A_27 = vector.broadcast %reshape3A_17 : vector<1x128x128xf32> to vector<64x128x128xf32>
    %sub3A_28 = arith.subf %sub3A_26, %sub3A_27 : vector<64x128x128xf32>
    %sub3A_29 = vector.broadcast %reshape3A_9 : vector<64x1x1xf32> to vector<64x128x128xf32>
    %sub3A_30 = vector.broadcast %reshape3A_21 : vector<1x128x128xf32> to vector<64x128x128xf32>
    %sub3A_31 = arith.subf %sub3A_29, %sub3A_30 : vector<64x128x128xf32>
    %mul3A = arith.mulf %sub3A_25, %sub3A_25 : vector<64x128x128xf32>
    %mul3A_32 = arith.mulf %sub3A_28, %sub3A_28 : vector<64x128x128xf32>
    %add3A = arith.addf %mul3A, %mul3A_32 : vector<64x128x128xf32>
    %mul3A_33 = arith.mulf %sub3A_31, %sub3A_31 : vector<64x128x128xf32>
    %add3A_34 = arith.addf %add3A, %mul3A_33 : vector<64x128x128xf32>
    %reduce_min3A = arith.constant dense<0x7F800000> : vector<64x128xf32>
    %reduce_min3A_35 = vector.multi_reduction <minimumf>, %add3A_34, %reduce_min3A [2] : vector<64x128x128xf32> to vector<64x128xf32>
    %broadcast_in_dim3A = vector.shape_cast %reduce_min3A_35 : vector<64x128xf32> to vector<64x128x1xf32>
    %eq3A = vector.broadcast %broadcast_in_dim3A : vector<64x128x1xf32> to vector<64x128x128xf32>
    %eq3A_36 = arith.cmpf oeq, %add3A_34, %eq3A : vector<64x128x128xf32>
    %jit3A = arith.constant 16384 : i32
    %broadcast_in_dim3A_37 = vector.broadcast %jit3A : i32 to vector<64x128x128xi32>
    %select_n3A = arith.select %eq3A_36, %iota3A, %broadcast_in_dim3A_37 : vector<64x128x128xi1>, vector<64x128x128xi32>
    %reduce_min3A_38 = arith.constant dense<2147483647> : vector<64x128xi32>
    %reduce_min3A_39 = vector.multi_reduction <minsi>, %select_n3A, %reduce_min3A_38 [2] : vector<64x128x128xi32> to vector<64x128xi32>
    %broadcast_in_dim3A_40 = vector.shape_cast %reduce_min3A_39 : vector<64x128xi32> to vector<64x128x1xi32>
    %eq3A_41 = vector.broadcast %broadcast_in_dim3A_40 : vector<64x128x1xi32> to vector<64x128x128xi32>
    %eq3A_42 = arith.cmpi eq, %iota3A, %eq3A_41 : vector<64x128x128xi32>
    %jit3A_43 = arith.constant 0x7F800000 : f32
    %broadcast_in_dim3A_44 = vector.broadcast %jit3A_43 : f32 to vector<64x128x128xf32>
    %select_n3A_45 = arith.select %eq3A_42, %broadcast_in_dim3A_44, %add3A_34 : vector<64x128x128xi1>, vector<64x128x128xf32>
    %mul3A_46 = arith.constant 128 : i32
    %mul3A_47 = vector.broadcast %mul3A_46 : i32 to vector<64x128xi32>
    %mul3A_48 = arith.muli %iota3A_22, %mul3A_47 : vector<64x128xi32>
    %add3A_49 = arith.addi %mul3A_48, %reduce_min3A_39 : vector<64x128xi32>
    %reduce_min3A_50 = arith.constant dense<0x7F800000> : vector<64x128xf32>
    %reduce_min3A_51 = vector.multi_reduction <minimumf>, %select_n3A_45, %reduce_min3A_50 [2] : vector<64x128x128xf32> to vector<64x128xf32>
    %broadcast_in_dim3A_52 = vector.shape_cast %reduce_min3A_51 : vector<64x128xf32> to vector<64x128x1xf32>
    %eq3A_53 = vector.broadcast %broadcast_in_dim3A_52 : vector<64x128x1xf32> to vector<64x128x128xf32>
    %eq3A_54 = arith.cmpf oeq, %select_n3A_45, %eq3A_53 : vector<64x128x128xf32>
    %jit3A_55 = arith.constant 16384 : i32
    %broadcast_in_dim3A_56 = vector.broadcast %jit3A_55 : i32 to vector<64x128x128xi32>
    %select_n3A_57 = arith.select %eq3A_54, %iota3A, %broadcast_in_dim3A_56 : vector<64x128x128xi1>, vector<64x128x128xi32>
    %reduce_min3A_58 = arith.constant dense<2147483647> : vector<64x128xi32>
    %reduce_min3A_59 = vector.multi_reduction <minsi>, %select_n3A_57, %reduce_min3A_58 [2] : vector<64x128x128xi32> to vector<64x128xi32>
    %broadcast_in_dim3A_60 = vector.shape_cast %reduce_min3A_59 : vector<64x128xi32> to vector<64x128x1xi32>
    %eq3A_61 = vector.broadcast %broadcast_in_dim3A_60 : vector<64x128x1xi32> to vector<64x128x128xi32>
    %eq3A_62 = arith.cmpi eq, %iota3A, %eq3A_61 : vector<64x128x128xi32>
    %jit3A_63 = arith.constant 0x7F800000 : f32
    %broadcast_in_dim3A_64 = vector.broadcast %jit3A_63 : f32 to vector<64x128x128xf32>
    %select_n3A_65 = arith.select %eq3A_62, %broadcast_in_dim3A_64, %select_n3A_45 : vector<64x128x128xi1>, vector<64x128x128xf32>
    %mul3A_66 = arith.constant 128 : i32
    %mul3A_67 = vector.broadcast %mul3A_66 : i32 to vector<64x128xi32>
    %mul3A_68 = arith.muli %iota3A_22, %mul3A_67 : vector<64x128xi32>
    %add3A_69 = arith.addi %mul3A_68, %reduce_min3A_59 : vector<64x128xi32>
    %reduce_min3A_70 = arith.constant dense<0x7F800000> : vector<64x128xf32>
    %reduce_min3A_71 = vector.multi_reduction <minimumf>, %select_n3A_65, %reduce_min3A_70 [2] : vector<64x128x128xf32> to vector<64x128xf32>
    %broadcast_in_dim3A_72 = vector.shape_cast %reduce_min3A_71 : vector<64x128xf32> to vector<64x128x1xf32>
    %eq3A_73 = vector.broadcast %broadcast_in_dim3A_72 : vector<64x128x1xf32> to vector<64x128x128xf32>
    %eq3A_74 = arith.cmpf oeq, %select_n3A_65, %eq3A_73 : vector<64x128x128xf32>
    %jit3A_75 = arith.constant 16384 : i32
    %broadcast_in_dim3A_76 = vector.broadcast %jit3A_75 : i32 to vector<64x128x128xi32>
    %select_n3A_77 = arith.select %eq3A_74, %iota3A, %broadcast_in_dim3A_76 : vector<64x128x128xi1>, vector<64x128x128xi32>
    %reduce_min3A_78 = arith.constant dense<2147483647> : vector<64x128xi32>
    %reduce_min3A_79 = vector.multi_reduction <minsi>, %select_n3A_77, %reduce_min3A_78 [2] : vector<64x128x128xi32> to vector<64x128xi32>
    %broadcast_in_dim3A_80 = vector.shape_cast %reduce_min3A_79 : vector<64x128xi32> to vector<64x128x1xi32>
    %eq3A_81 = vector.broadcast %broadcast_in_dim3A_80 : vector<64x128x1xi32> to vector<64x128x128xi32>
    %eq3A_82 = arith.cmpi eq, %iota3A, %eq3A_81 : vector<64x128x128xi32>
    %jit3A_83 = arith.constant 0x7F800000 : f32
    %broadcast_in_dim3A_84 = vector.broadcast %jit3A_83 : f32 to vector<64x128x128xf32>
    %select_n3A_85 = arith.select %eq3A_82, %broadcast_in_dim3A_84, %select_n3A_65 : vector<64x128x128xi1>, vector<64x128x128xf32>
    %mul3A_86 = arith.constant 128 : i32
    %mul3A_87 = vector.broadcast %mul3A_86 : i32 to vector<64x128xi32>
    %mul3A_88 = arith.muli %iota3A_22, %mul3A_87 : vector<64x128xi32>
    %add3A_89 = arith.addi %mul3A_88, %reduce_min3A_79 : vector<64x128xi32>
    %reduce_min3A_90 = arith.constant dense<0x7F800000> : vector<64x128xf32>
    %reduce_min3A_91 = vector.multi_reduction <minimumf>, %select_n3A_85, %reduce_min3A_90 [2] : vector<64x128x128xf32> to vector<64x128xf32>
    %broadcast_in_dim3A_92 = vector.shape_cast %reduce_min3A_91 : vector<64x128xf32> to vector<64x128x1xf32>
    %eq3A_93 = vector.broadcast %broadcast_in_dim3A_92 : vector<64x128x1xf32> to vector<64x128x128xf32>
    %eq3A_94 = arith.cmpf oeq, %select_n3A_85, %eq3A_93 : vector<64x128x128xf32>
    %jit3A_95 = arith.constant 16384 : i32
    %broadcast_in_dim3A_96 = vector.broadcast %jit3A_95 : i32 to vector<64x128x128xi32>
    %select_n3A_97 = arith.select %eq3A_94, %iota3A, %broadcast_in_dim3A_96 : vector<64x128x128xi1>, vector<64x128x128xi32>
    %reduce_min3A_98 = arith.constant dense<2147483647> : vector<64x128xi32>
    %reduce_min3A_99 = vector.multi_reduction <minsi>, %select_n3A_97, %reduce_min3A_98 [2] : vector<64x128x128xi32> to vector<64x128xi32>
    %broadcast_in_dim3A_100 = vector.shape_cast %reduce_min3A_99 : vector<64x128xi32> to vector<64x128x1xi32>
    %eq3A_101 = vector.broadcast %broadcast_in_dim3A_100 : vector<64x128x1xi32> to vector<64x128x128xi32>
    %eq3A_102 = arith.cmpi eq, %iota3A, %eq3A_101 : vector<64x128x128xi32>
    %jit3A_103 = arith.constant 0x7F800000 : f32
    %broadcast_in_dim3A_104 = vector.broadcast %jit3A_103 : f32 to vector<64x128x128xf32>
    %select_n3A_105 = arith.select %eq3A_102, %broadcast_in_dim3A_104, %select_n3A_85 : vector<64x128x128xi1>, vector<64x128x128xf32>
    %mul3A_106 = arith.constant 128 : i32
    %mul3A_107 = vector.broadcast %mul3A_106 : i32 to vector<64x128xi32>
    %mul3A_108 = arith.muli %iota3A_22, %mul3A_107 : vector<64x128xi32>
    %add3A_109 = arith.addi %mul3A_108, %reduce_min3A_99 : vector<64x128xi32>
    %reduce_min3A_110 = arith.constant dense<0x7F800000> : vector<64x128xf32>
    %reduce_min3A_111 = vector.multi_reduction <minimumf>, %select_n3A_105, %reduce_min3A_110 [2] : vector<64x128x128xf32> to vector<64x128xf32>
    %broadcast_in_dim3A_112 = vector.shape_cast %reduce_min3A_111 : vector<64x128xf32> to vector<64x128x1xf32>
    %eq3A_113 = vector.broadcast %broadcast_in_dim3A_112 : vector<64x128x1xf32> to vector<64x128x128xf32>
    %eq3A_114 = arith.cmpf oeq, %select_n3A_105, %eq3A_113 : vector<64x128x128xf32>
    %jit3A_115 = arith.constant 16384 : i32
    %broadcast_in_dim3A_116 = vector.broadcast %jit3A_115 : i32 to vector<64x128x128xi32>
    %select_n3A_117 = arith.select %eq3A_114, %iota3A, %broadcast_in_dim3A_116 : vector<64x128x128xi1>, vector<64x128x128xi32>
    %reduce_min3A_118 = arith.constant dense<2147483647> : vector<64x128xi32>
    %reduce_min3A_119 = vector.multi_reduction <minsi>, %select_n3A_117, %reduce_min3A_118 [2] : vector<64x128x128xi32> to vector<64x128xi32>
    %mul3A_120 = arith.constant 128 : i32
    %mul3A_121 = vector.broadcast %mul3A_120 : i32 to vector<64x128xi32>
    %mul3A_122 = arith.muli %iota3A_22, %mul3A_121 : vector<64x128xi32>
    %add3A_123 = arith.addi %mul3A_122, %reduce_min3A_119 : vector<64x128xi32>
    %stack3A = vector.shape_cast %reduce_min3A_35 : vector<64x128xf32> to vector<64x1x128xf32>
    %stack3A_124 = vector.shape_cast %reduce_min3A_51 : vector<64x128xf32> to vector<64x1x128xf32>
    %stack3A_125 = vector.shape_cast %reduce_min3A_71 : vector<64x128xf32> to vector<64x1x128xf32>
    %stack3A_126 = vector.shape_cast %reduce_min3A_91 : vector<64x128xf32> to vector<64x1x128xf32>
    %stack3A_127 = vector.shape_cast %reduce_min3A_111 : vector<64x128xf32> to vector<64x1x128xf32>
    %stack3A_128 = tpu.concatenate %stack3A, %stack3A_124, %stack3A_125, %stack3A_126, %stack3A_127 in 1 : vector<64x1x128xf32>, vector<64x1x128xf32>, vector<64x1x128xf32>, vector<64x1x128xf32>, vector<64x1x128xf32> -> vector<64x5x128xf32>
    %stack3A_129 = vector.shape_cast %add3A_49 : vector<64x128xi32> to vector<64x1x128xi32>
    %stack3A_130 = vector.shape_cast %add3A_69 : vector<64x128xi32> to vector<64x1x128xi32>
    %stack3A_131 = vector.shape_cast %add3A_89 : vector<64x128xi32> to vector<64x1x128xi32>
    %stack3A_132 = vector.shape_cast %add3A_109 : vector<64x128xi32> to vector<64x1x128xi32>
    %stack3A_133 = vector.shape_cast %add3A_123 : vector<64x128xi32> to vector<64x1x128xi32>
    %stack3A_134 = tpu.concatenate %stack3A_129, %stack3A_130, %stack3A_131, %stack3A_132, %stack3A_133 in 1 : vector<64x1x128xi32>, vector<64x1x128xi32>, vector<64x1x128xi32>, vector<64x1x128xi32>, vector<64x1x128xi32> -> vector<64x5x128xi32>
    %broadcast_in_dim3A_135 = arith.constant 0 : i32
    %broadcast_in_dim3A_136 = vector.broadcast %broadcast_in_dim3A_135 : i32 to vector<64x32xi32>
    %broadcast_in_dim3A_137 = arith.constant 0 : i32
    %broadcast_in_dim3A_138 = vector.broadcast %broadcast_in_dim3A_137 : i32 to vector<64x32xi32>
    %broadcast_in_dim3A_139 = arith.constant 0.000000e+00 : f32
    %broadcast_in_dim3A_140 = vector.broadcast %broadcast_in_dim3A_139 : f32 to vector<64xf32>
    %scan3A = arith.constant 0 : i32
    %scan3A_141 = arith.constant 32 : i32
    %scan3A_142 = arith.addi %scan3A, %scan3A_141 : i32
    %scan3A_143 = arith.constant 1 : i32
    %scan3A_144:4 = scf.for %scan3A_165 = %scan3A to %scan3A_142 step %scan3A_143 iter_args(%scan3A_166 = %stack3A_128, %scan3A_167 = %broadcast_in_dim3A_136, %scan3A_168 = %broadcast_in_dim3A_138, %scan3A_169 = %broadcast_in_dim3A_140) -> (vector<64x5x128xf32>, vector<64x32xi32>, vector<64x32xi32>, vector<64xf32>)  : i32 {
      %reduce_min3A_170 = arith.constant dense<0x7F800000> : vector<64xf32>
      %reduce_min3A_171 = vector.multi_reduction <minimumf>, %scan3A_166, %reduce_min3A_170 [1, 2] : vector<64x5x128xf32> to vector<64xf32>
      %broadcast_in_dim3A_172 = vector.shape_cast %reduce_min3A_171 : vector<64xf32> to vector<64x1x1xf32>
      %eq3A_173 = vector.broadcast %broadcast_in_dim3A_172 : vector<64x1x1xf32> to vector<64x5x128xf32>
      %eq3A_174 = arith.cmpf oeq, %scan3A_166, %eq3A_173 : vector<64x5x128xf32>
      %jit3A_175 = arith.constant 16384 : i32
      %broadcast_in_dim3A_176 = vector.broadcast %jit3A_175 : i32 to vector<64x5x128xi32>
      %select_n3A_177 = arith.select %eq3A_174, %stack3A_134, %broadcast_in_dim3A_176 : vector<64x5x128xi1>, vector<64x5x128xi32>
      %reduce_min3A_178 = arith.constant dense<2147483647> : vector<64xi32>
      %reduce_min3A_179 = vector.multi_reduction <minsi>, %select_n3A_177, %reduce_min3A_178 [1, 2] : vector<64x5x128xi32> to vector<64xi32>
      %broadcast_in_dim3A_180 = vector.shape_cast %reduce_min3A_179 : vector<64xi32> to vector<64x1x1xi32>
      %eq3A_181 = vector.broadcast %broadcast_in_dim3A_180 : vector<64x1x1xi32> to vector<64x5x128xi32>
      %eq3A_182 = arith.cmpi eq, %stack3A_134, %eq3A_181 : vector<64x5x128xi32>
      %and3A = arith.andi %eq3A_174, %eq3A_182 : vector<64x5x128xi1>
      %jit3A_183 = arith.constant 0x7F800000 : f32
      %broadcast_in_dim3A_184 = vector.broadcast %jit3A_183 : f32 to vector<64x5x128xf32>
      %select_n3A_185 = arith.select %and3A, %broadcast_in_dim3A_184, %scan3A_166 : vector<64x5x128xi1>, vector<64x5x128xf32>
      %eq3A_186 = vector.broadcast %scan3A_165 : i32 to vector<64x32xi32>
      %eq3A_187 = arith.cmpi eq, %iota3A_23, %eq3A_186 : vector<64x32xi32>
      %broadcast_in_dim3A_188 = vector.shape_cast %reduce_min3A_179 : vector<64xi32> to vector<64x1xi32>
      %broadcast_in_dim3A_189 = vector.shape_cast %broadcast_in_dim3A_188 : vector<64x1xi32> to vector<64x1xi32>
      %broadcast_in_dim3A_190 = vector.broadcast %broadcast_in_dim3A_189 : vector<64x1xi32> to vector<64x32xi32>
      %select_n3A_191 = arith.select %eq3A_187, %broadcast_in_dim3A_190, %scan3A_167 : vector<64x32xi1>, vector<64x32xi32>
      %le3A_192 = arith.constant 4.000000e-02 : f32
      %le3A_193 = vector.broadcast %le3A_192 : f32 to vector<64xf32>
      %le3A_194 = arith.cmpf ole, %reduce_min3A_171, %le3A_193 : vector<64xf32>
      %convert_element_type3A_195 = arith.extui %le3A_194 : vector<64xi1> to vector<64xi32>
      %eq3A_196 = vector.broadcast %scan3A_165 : i32 to vector<64x32xi32>
      %eq3A_197 = arith.cmpi eq, %iota3A_23, %eq3A_196 : vector<64x32xi32>
      %broadcast_in_dim3A_198 = vector.shape_cast %convert_element_type3A_195 : vector<64xi32> to vector<64x1xi32>
      %broadcast_in_dim3A_199 = vector.shape_cast %broadcast_in_dim3A_198 : vector<64x1xi32> to vector<64x1xi32>
      %broadcast_in_dim3A_200 = vector.broadcast %broadcast_in_dim3A_199 : vector<64x1xi32> to vector<64x32xi32>
      %select_n3A_201 = arith.select %eq3A_197, %broadcast_in_dim3A_200, %scan3A_168 : vector<64x32xi1>, vector<64x32xi32>
      scf.yield %select_n3A_185, %select_n3A_191, %select_n3A_201, %reduce_min3A_171 : vector<64x5x128xf32>, vector<64x32xi32>, vector<64x32xi32>, vector<64xf32>
    }
    %scan3A_145 = arith.constant 32 : i32
    %swap3A = arith.constant 0 : index
    %swap3A_146 = arith.constant 0 : index
    %swap3A_147 = vector.load %arg7[%swap3A, %swap3A_146] : memref<64x32xi32, #tpu.memory_space<vmem>>, vector<64x32xi32>
    tpu.vector_store %arg7[%swap3A, %swap3A_146], %scan3A_144#1 {strides = array<i32>} : memref<64x32xi32, #tpu.memory_space<vmem>>, vector<64x32xi32>,
    %swap3A_148 = arith.constant 0 : index
    %swap3A_149 = arith.constant 0 : index
    %swap3A_150 = vector.load %arg8[%swap3A_148, %swap3A_149] : memref<64x32xi32, #tpu.memory_space<vmem>>, vector<64x32xi32>
    tpu.vector_store %arg8[%swap3A_148, %swap3A_149], %scan3A_144#2 {strides = array<i32>} : memref<64x32xi32, #tpu.memory_space<vmem>>, vector<64x32xi32>,
    %broadcast_in_dim3A_151 = vector.shape_cast %scan3A_144#3 : vector<64xf32> to vector<64x1xf32>
    %le3A = vector.broadcast %broadcast_in_dim3A_151 : vector<64x1xf32> to vector<64x128xf32>
    %le3A_152 = arith.cmpf ole, %reduce_min3A_111, %le3A : vector<64x128xf32>
    %reduce_or3A = arith.constant 1.000000e+00 : f32
    %reduce_or3A_153 = arith.constant 0.000000e+00 : f32
    %reduce_or3A_154 = vector.broadcast %reduce_or3A : f32 to vector<64x128xf32>
    %reduce_or3A_155 = vector.broadcast %reduce_or3A_153 : f32 to vector<64x128xf32>
    %reduce_or3A_156 = arith.select %le3A_152, %reduce_or3A_154, %reduce_or3A_155 : vector<64x128xi1>, vector<64x128xf32>
    %reduce_or3A_157 = vector.shape_cast %reduce_or3A_156 : vector<64x128xf32> to vector<1x64x128xf32>
    %reduce_or3A_158 = arith.constant dense<0xFF800000> : vector<1xf32>
    %reduce_or3A_159 = vector.multi_reduction <maximumf>, %reduce_or3A_157, %reduce_or3A_158 [1, 2] : vector<1x64x128xf32> to vector<1xf32>
    %reduce_or3A_160 = vector.shape_cast %reduce_or3A_159 : vector<1xf32> to vector<1x1x1xf32>
    %reduce_or3A_161 = vector.extract %reduce_or3A_160[0, 0, 0] : f32 from vector<1x1x1xf32>
    %reduce_or3A_162 = arith.constant 0.000000e+00 : f32
    %reduce_or3A_163 = arith.cmpf ogt, %reduce_or3A_161, %reduce_or3A_162 : f32
    %convert_element_type3A = arith.extui %reduce_or3A_163 : i1 to i32
    %cond3A = arith.constant 0 : i32
    %cond3A_164 = arith.cmpi ne, %convert_element_type3A, %cond3A : i32
    scf.if %cond3A_164 {
      %broadcast_in_dim3A_165 = vector.shape_cast %iota3A_22 : vector<64x128xi32> to vector<64x128x1xi32>
      %mul3A_166 = arith.constant 128 : i32
      %mul3A_167 = vector.broadcast %mul3A_166 : i32 to vector<64x128x1xi32>
      %mul3A_168 = arith.muli %broadcast_in_dim3A_165, %mul3A_167 : vector<64x128x1xi32>
      %add3A_169 = vector.broadcast %mul3A_168 : vector<64x128x1xi32> to vector<64x128x128xi32>
      %add3A_170 = arith.addi %add3A_169, %iota3A : vector<64x128x128xi32>
      %sub3A_171 = vector.broadcast %reshape3A : vector<64x1x1xf32> to vector<64x128x128xf32>
      %sub3A_172 = vector.broadcast %reshape3A_13 : vector<1x128x128xf32> to vector<64x128x128xf32>
      %sub3A_173 = arith.subf %sub3A_171, %sub3A_172 : vector<64x128x128xf32>
      %sub3A_174 = vector.broadcast %reshape3A_5 : vector<64x1x1xf32> to vector<64x128x128xf32>
      %sub3A_175 = vector.broadcast %reshape3A_17 : vector<1x128x128xf32> to vector<64x128x128xf32>
      %sub3A_176 = arith.subf %sub3A_174, %sub3A_175 : vector<64x128x128xf32>
      %sub3A_177 = vector.broadcast %reshape3A_9 : vector<64x1x1xf32> to vector<64x128x128xf32>
      %sub3A_178 = vector.broadcast %reshape3A_21 : vector<1x128x128xf32> to vector<64x128x128xf32>
      %sub3A_179 = arith.subf %sub3A_177, %sub3A_178 : vector<64x128x128xf32>
      %mul3A_180 = arith.mulf %sub3A_173, %sub3A_173 : vector<64x128x128xf32>
      %mul3A_181 = arith.mulf %sub3A_176, %sub3A_176 : vector<64x128x128xf32>
      %add3A_182 = arith.addf %mul3A_180, %mul3A_181 : vector<64x128x128xf32>
      %mul3A_183 = arith.mulf %sub3A_179, %sub3A_179 : vector<64x128x128xf32>
      %add3A_184 = arith.addf %add3A_182, %mul3A_183 : vector<64x128x128xf32>
      %scan3A_185 = arith.constant 0 : i32
      %scan3A_186 = arith.constant 32 : i32
      %scan3A_187 = arith.addi %scan3A_185, %scan3A_186 : i32
      %scan3A_188 = arith.constant 1 : i32
      %scan3A_189:3 = scf.for %scan3A_197 = %scan3A_185 to %scan3A_187 step %scan3A_188 iter_args(%scan3A_198 = %add3A_184, %scan3A_199 = %broadcast_in_dim3A_136, %scan3A_200 = %broadcast_in_dim3A_138) -> (vector<64x128x128xf32>, vector<64x32xi32>, vector<64x32xi32>)  : i32 {
        %reduce_min3A_201 = arith.constant dense<0x7F800000> : vector<64xf32>
        %reduce_min3A_202 = vector.multi_reduction <minimumf>, %scan3A_198, %reduce_min3A_201 [1, 2] : vector<64x128x128xf32> to vector<64xf32>
        %broadcast_in_dim3A_203 = vector.shape_cast %reduce_min3A_202 : vector<64xf32> to vector<64x1x1xf32>
        %eq3A_204 = vector.broadcast %broadcast_in_dim3A_203 : vector<64x1x1xf32> to vector<64x128x128xf32>
        %eq3A_205 = arith.cmpf oeq, %scan3A_198, %eq3A_204 : vector<64x128x128xf32>
        %jit3A_206 = arith.constant 16384 : i32
        %broadcast_in_dim3A_207 = vector.broadcast %jit3A_206 : i32 to vector<64x128x128xi32>
        %select_n3A_208 = arith.select %eq3A_205, %add3A_170, %broadcast_in_dim3A_207 : vector<64x128x128xi1>, vector<64x128x128xi32>
        %reduce_min3A_209 = arith.constant dense<2147483647> : vector<64xi32>
        %reduce_min3A_210 = vector.multi_reduction <minsi>, %select_n3A_208, %reduce_min3A_209 [1, 2] : vector<64x128x128xi32> to vector<64xi32>
        %broadcast_in_dim3A_211 = vector.shape_cast %reduce_min3A_210 : vector<64xi32> to vector<64x1x1xi32>
        %eq3A_212 = vector.broadcast %broadcast_in_dim3A_211 : vector<64x1x1xi32> to vector<64x128x128xi32>
        %eq3A_213 = arith.cmpi eq, %add3A_170, %eq3A_212 : vector<64x128x128xi32>
        %jit3A_214 = arith.constant 0x7F800000 : f32
        %broadcast_in_dim3A_215 = vector.broadcast %jit3A_214 : f32 to vector<64x128x128xf32>
        %select_n3A_216 = arith.select %eq3A_213, %broadcast_in_dim3A_215, %scan3A_198 : vector<64x128x128xi1>, vector<64x128x128xf32>
        %eq3A_217 = vector.broadcast %scan3A_197 : i32 to vector<64x32xi32>
        %eq3A_218 = arith.cmpi eq, %iota3A_23, %eq3A_217 : vector<64x32xi32>
        %broadcast_in_dim3A_219 = vector.shape_cast %reduce_min3A_210 : vector<64xi32> to vector<64x1xi32>
        %broadcast_in_dim3A_220 = vector.shape_cast %broadcast_in_dim3A_219 : vector<64x1xi32> to vector<64x1xi32>
        %broadcast_in_dim3A_221 = vector.broadcast %broadcast_in_dim3A_220 : vector<64x1xi32> to vector<64x32xi32>
        %select_n3A_222 = arith.select %eq3A_218, %broadcast_in_dim3A_221, %scan3A_199 : vector<64x32xi1>, vector<64x32xi32>
        %le3A_223 = arith.constant 4.000000e-02 : f32
        %le3A_224 = vector.broadcast %le3A_223 : f32 to vector<64xf32>
        %le3A_225 = arith.cmpf ole, %reduce_min3A_202, %le3A_224 : vector<64xf32>
        %convert_element_type3A_226 = arith.extui %le3A_225 : vector<64xi1> to vector<64xi32>
        %eq3A_227 = vector.broadcast %scan3A_197 : i32 to vector<64x32xi32>
        %eq3A_228 = arith.cmpi eq, %iota3A_23, %eq3A_227 : vector<64x32xi32>
        %broadcast_in_dim3A_229 = vector.shape_cast %convert_element_type3A_226 : vector<64xi32> to vector<64x1xi32>
        %broadcast_in_dim3A_230 = vector.shape_cast %broadcast_in_dim3A_229 : vector<64x1xi32> to vector<64x1xi32>
        %broadcast_in_dim3A_231 = vector.broadcast %broadcast_in_dim3A_230 : vector<64x1xi32> to vector<64x32xi32>
        %select_n3A_232 = arith.select %eq3A_228, %broadcast_in_dim3A_231, %scan3A_200 : vector<64x32xi1>, vector<64x32xi32>
        scf.yield %select_n3A_216, %select_n3A_222, %select_n3A_232 : vector<64x128x128xf32>, vector<64x32xi32>, vector<64x32xi32>
      }
      %scan3A_190 = arith.constant 32 : i32
      %swap3A_191 = arith.constant 0 : index
      %swap3A_192 = arith.constant 0 : index
      %swap3A_193 = vector.load %arg7[%swap3A_191, %swap3A_192] : memref<64x32xi32, #tpu.memory_space<vmem>>, vector<64x32xi32>
      tpu.vector_store %arg7[%swap3A_191, %swap3A_192], %scan3A_189#1 {strides = array<i32>} : memref<64x32xi32, #tpu.memory_space<vmem>>, vector<64x32xi32>,
      %swap3A_194 = arith.constant 0 : index
      %swap3A_195 = arith.constant 0 : index
      %swap3A_196 = vector.load %arg8[%swap3A_194, %swap3A_195] : memref<64x32xi32, #tpu.memory_space<vmem>>, vector<64x32xi32>
      tpu.vector_store %arg8[%swap3A_194, %swap3A_195], %scan3A_189#2 {strides = array<i32>} : memref<64x32xi32, #tpu.memory_space<vmem>>, vector<64x32xi32>,
    } else {
    }
    return
  }
  func.func @transform_0(%arg0: i32) -> (i32, i32) {
    %c0_i32 = arith.constant 0 : i32
    %c0_i32_0 = arith.constant 0 : i32
    return %arg0, %c0_i32 : i32, i32
  }
  func.func @transform_1(%arg0: i32) -> (i32, i32) {
    %c0_i32 = arith.constant 0 : i32
    %c0_i32_0 = arith.constant 0 : i32
    return %arg0, %c0_i32 : i32, i32
  }
  func.func @transform_2(%arg0: i32) -> (i32, i32) {
    %c0_i32 = arith.constant 0 : i32
    %c0_i32_0 = arith.constant 0 : i32
    return %arg0, %c0_i32 : i32, i32
  }
  func.func @transform_3(%arg0: i32) -> (i32, i32) {
    %c0_i32 = arith.constant 0 : i32
    %c0_i32_0 = arith.constant 0 : i32
    %c0_i32_1 = arith.constant 0 : i32
    return %c0_i32, %c0_i32_0 : i32, i32
  }
  func.func @transform_4(%arg0: i32) -> (i32, i32) {
    %c0_i32 = arith.constant 0 : i32
    %c0_i32_0 = arith.constant 0 : i32
    %c0_i32_1 = arith.constant 0 : i32
    return %c0_i32, %c0_i32_0 : i32, i32
  }
  func.func @transform_5(%arg0: i32) -> (i32, i32) {
    %c0_i32 = arith.constant 0 : i32
    %c0_i32_0 = arith.constant 0 : i32
    %c0_i32_1 = arith.constant 0 : i32
    return %c0_i32, %c0_i32_0 : i32, i32
  }
  func.func @transform_6(%arg0: i32) -> (i32, i32) {
    %c0_i32 = arith.constant 0 : i32
    %c0_i32_0 = arith.constant 0 : i32
    return %arg0, %c0_i32 : i32, i32
  }
  func.func @transform_7(%arg0: i32) -> (i32, i32) {
    %c0_i32 = arith.constant 0 : i32
    %c0_i32_0 = arith.constant 0 : i32
    return %arg0, %c0_i32 : i32, i32
  }
}

module attributes {stable_mosaic.version = 14 : i64} {
  func.func @_edge_kernel(%arg0: i32, %arg1: memref<8192x128xf32, #tpu.memory_space<vmem>>, %arg2: memref<8192x3xf32, #tpu.memory_space<vmem>>, %arg3: memref<8192x1xi32, #tpu.memory_space<vmem>>, %arg4: memref<3x64xf32, #tpu.memory_space<vmem>>, %arg5: memref<64xf32, #tpu.memory_space<vmem>>, %arg6: memref<64x128xf32, #tpu.memory_space<vmem>>, %arg7: memref<128xf32, #tpu.memory_space<vmem>>, %arg8: memref<256x128xf32, #tpu.memory_space<vmem>>) attributes {dimension_semantics = [#tpu.dimension_semantics<arbitrary>], iteration_bounds = array<i64: 32>, scalar_prefetch = 0 : i64, scratch_operands = 0 : i64, tpu.core_type = #tpu.core_type<tc>, window_params = [{transform_indices = @transform_0, window_bounds = array<i64: 8192, 128>}, {transform_indices = @transform_1, window_bounds = array<i64: 8192, 3>}, {transform_indices = @transform_2, window_bounds = array<i64: 8192, 1>}, {pipeline_mode = #tpu.pipeline_mode<synchronous>, transform_indices = @transform_3, window_bounds = array<i64: 3, 64>}, {pipeline_mode = #tpu.pipeline_mode<synchronous>, transform_indices = @transform_4, window_bounds = array<i64: 64>}, {pipeline_mode = #tpu.pipeline_mode<synchronous>, transform_indices = @transform_5, window_bounds = array<i64: 64, 128>}, {pipeline_mode = #tpu.pipeline_mode<synchronous>, transform_indices = @transform_6, window_bounds = array<i64: 128>}, {transform_indices = @transform_7, window_bounds = array<i64: 256, 128>}]} {
    %get3A = arith.constant 0 : index
    %get3A_0 = arith.constant 0 : index
    %get3A_1 = vector.load %arg1[%get3A, %get3A_0] : memref<8192x128xf32, #tpu.memory_space<vmem>>, vector<8192x3xf32>
    %get3A_2 = arith.constant 0 : index
    %get3A_3 = arith.constant 0 : index
    %get3A_4 = vector.load %arg2[%get3A_2, %get3A_3] : memref<8192x3xf32, #tpu.memory_space<vmem>>, vector<8192x3xf32>
    %sub3A = arith.subf %get3A_1, %get3A_4 : vector<8192x3xf32>
    %get3A_5 = arith.constant 0 : index
    %get3A_6 = arith.constant 0 : index
    %get3A_7 = vector.load %arg4[%get3A_5, %get3A_6] : memref<3x64xf32, #tpu.memory_space<vmem>>, vector<3x64xf32>
    %dot_general3A = arith.constant dense<0.000000e+00> : vector<8192x64xf32>
    %dot_general3A_8 = tpu.matmul %sub3A, %get3A_7, %dot_general3A {dimension_numbers = #tpu.dot_dimension_numbers<[1], [0], [0], [1], [0, 0, 1, 1], [], []>, transpose_lhs_hint = false} : vector<8192x3xf32>, vector<3x64xf32>, vector<8192x64xf32> -> vector<8192x64xf32>
    %get3A_9 = arith.constant 0 : index
    %get3A_10 = vector.load %arg5[%get3A_9] : memref<64xf32, #tpu.memory_space<vmem>>, vector<64xf32>
    %broadcast_in_dim3A = vector.shape_cast %get3A_10 : vector<64xf32> to vector<1x64xf32>
    %add3A = vector.broadcast %broadcast_in_dim3A : vector<1x64xf32> to vector<8192x64xf32>
    %add3A_11 = arith.addf %dot_general3A_8, %add3A : vector<8192x64xf32>
    %max3A = arith.constant 0.000000e+00 : f32
    %max3A_12 = vector.broadcast %max3A : f32 to vector<8192x64xf32>
    %max3A_13 = arith.maximumf %add3A_11, %max3A_12 : vector<8192x64xf32>
    %get3A_14 = arith.constant 0 : index
    %get3A_15 = arith.constant 0 : index
    %get3A_16 = vector.load %arg6[%get3A_14, %get3A_15] : memref<64x128xf32, #tpu.memory_space<vmem>>, vector<64x128xf32>
    %dot_general3A_17 = arith.constant dense<0.000000e+00> : vector<8192x128xf32>
    %dot_general3A_18 = tpu.matmul %max3A_13, %get3A_16, %dot_general3A_17 {dimension_numbers = #tpu.dot_dimension_numbers<[1], [0], [0], [1], [0, 0, 1, 1], [], []>, transpose_lhs_hint = false} : vector<8192x64xf32>, vector<64x128xf32>, vector<8192x128xf32> -> vector<8192x128xf32>
    %get3A_19 = arith.constant 0 : index
    %get3A_20 = vector.load %arg7[%get3A_19] : memref<128xf32, #tpu.memory_space<vmem>>, vector<128xf32>
    %broadcast_in_dim3A_21 = vector.shape_cast %get3A_20 : vector<128xf32> to vector<1x128xf32>
    %add3A_22 = vector.broadcast %broadcast_in_dim3A_21 : vector<1x128xf32> to vector<8192x128xf32>
    %add3A_23 = arith.addf %dot_general3A_18, %add3A_22 : vector<8192x128xf32>
    %get3A_24 = arith.constant 0 : index
    %get3A_25 = arith.constant 0 : index
    %get3A_26 = vector.load %arg3[%get3A_24, %get3A_25] : memref<8192x1xi32, #tpu.memory_space<vmem>>, vector<8192x1xi32>
    %get3A_27 = arith.constant dense<0> : vector<8192x1xi32>
    %get3A_28 = arith.cmpi ne, %get3A_26, %get3A_27 : vector<8192x1xi32>
    %jit3A = arith.constant 0xFF800000 : f32
    %broadcast_in_dim3A_29 = vector.shape_cast %get3A_28 : vector<8192x1xi1> to vector<8192x1xi1>
    %broadcast_in_dim3A_30 = vector.broadcast %broadcast_in_dim3A_29 : vector<8192x1xi1> to vector<8192x128xi1>
    %broadcast_in_dim3A_31 = vector.broadcast %jit3A : f32 to vector<8192x128xf32>
    %select_n3A = arith.select %broadcast_in_dim3A_30, %add3A_23, %broadcast_in_dim3A_31 : vector<8192x128xi1>, vector<8192x128xf32>
    %reshape3A = vector.shape_cast %select_n3A : vector<8192x128xf32> to vector<256x32x128xf32>
    %reduce_max3A = arith.constant dense<0xFF800000> : vector<256x128xf32>
    %reduce_max3A_32 = vector.multi_reduction <maximumf>, %reshape3A, %reduce_max3A [1] : vector<256x32x128xf32> to vector<256x128xf32>
    %is_finite3A = tpu.weird %reduce_max3A_32 : vector<256x128xf32> -> vector<256x128xi1>
    %is_finite3A_33 = arith.constant dense<true> : vector<256x128xi1>
    %is_finite3A_34 = arith.xori %is_finite3A, %is_finite3A_33 : vector<256x128xi1>
    %jit3A_35 = arith.constant 0.000000e+00 : f32
    %broadcast_in_dim3A_36 = vector.broadcast %jit3A_35 : f32 to vector<256x128xf32>
    %select_n3A_37 = arith.select %is_finite3A_34, %reduce_max3A_32, %broadcast_in_dim3A_36 : vector<256x128xi1>, vector<256x128xf32>
    %swap3A = arith.constant 0 : index
    %swap3A_38 = arith.constant 0 : index
    %swap3A_39 = vector.load %arg8[%swap3A, %swap3A_38] : memref<256x128xf32, #tpu.memory_space<vmem>>, vector<256x128xf32>
    tpu.vector_store %arg8[%swap3A, %swap3A_38], %select_n3A_37 {strides = array<i32>} : memref<256x128xf32, #tpu.memory_space<vmem>>, vector<256x128xf32>,
    return
  }
  func.func @transform_0(%arg0: i32) -> (i32, i32) {
    %c0_i32 = arith.constant 0 : i32
    %c0_i32_0 = arith.constant 0 : i32
    return %arg0, %c0_i32 : i32, i32
  }
  func.func @transform_1(%arg0: i32) -> (i32, i32) {
    %c0_i32 = arith.constant 0 : i32
    %c0_i32_0 = arith.constant 0 : i32
    return %arg0, %c0_i32 : i32, i32
  }
  func.func @transform_2(%arg0: i32) -> (i32, i32) {
    %c0_i32 = arith.constant 0 : i32
    %c0_i32_0 = arith.constant 0 : i32
    return %arg0, %c0_i32 : i32, i32
  }
  func.func @transform_3(%arg0: i32) -> (i32, i32) {
    %c0_i32 = arith.constant 0 : i32
    %c0_i32_0 = arith.constant 0 : i32
    %c0_i32_1 = arith.constant 0 : i32
    return %c0_i32, %c0_i32_0 : i32, i32
  }
  func.func @transform_4(%arg0: i32) -> i32 {
    %c0_i32 = arith.constant 0 : i32
    %c0_i32_0 = arith.constant 0 : i32
    return %c0_i32 : i32
  }
  func.func @transform_5(%arg0: i32) -> (i32, i32) {
    %c0_i32 = arith.constant 0 : i32
    %c0_i32_0 = arith.constant 0 : i32
    %c0_i32_1 = arith.constant 0 : i32
    return %c0_i32, %c0_i32_0 : i32, i32
  }
  func.func @transform_6(%arg0: i32) -> i32 {
    %c0_i32 = arith.constant 0 : i32
    %c0_i32_0 = arith.constant 0 : i32
    return %c0_i32 : i32
  }
  func.func @transform_7(%arg0: i32) -> (i32, i32) {
    %c0_i32 = arith.constant 0 : i32
    %c0_i32_0 = arith.constant 0 : i32
    return %arg0, %c0_i32 : i32, i32
  }
}

</mosaic_0001>

<sc_bundles>
// kernel: gather_offload_async_start
scs
__scs_entry_jumppad:
0x0: {  	(pc) =	sbr.rel $0x88, $3  }
0x1: {  	(tag) =	ssettag $0x0;
	lr =	simm.s32 $0x1  }
0x2: {  	[smem:$0x3F9C] =	sst lr;
	_ =	strace $0xD0000000  }
0x3: {  	_ = 	snop  }
0x4: {  	_ = 	snop  }
0x5: {  	_ = 	snop  }
0x6: {  	_ = 	snop  }
0x7: {  	_ = 	snop  }
__scs_overlays_trampoline_lowered:
0x8: {  	[smem:$0x3FAB] =	sst s0  }
0x9: {  	[smem:$0x3FAC] =	sst s1  }
0xa: {  	[smem:$0x3FAD] =	sst s2  }
0xb: {  	[smem:$0x3FAE] =	sst s3  }
0xc: {  	[smem:$0x3FAF] =	sst s4  }
0xd: {  	[smem:$0x3FB0] =	sst s5  }
0xe: {  	[smem:$0x3FB1] =	sst s6  }
0xf: {  	[smem:$0x3FB2] =	sst s7  }
0x10: {  	[smem:$0x3FB3] =	sst s8  }
0x11: {  	[smem:$0x3FB4] =	sst s9;
	s0 =	simm.s32 @!p0 $0x0  }
0x12: {  	s1 =	sld [smem:$0x3F9A];
	s0 =	simm.s32 @p0 $0x1  }
0x13: {  	[smem:$0x3FB5] =	sst s0;
	s0 =	simm.s32 @!p1 $0x0  }
0x14: {  	s2 =	sld [smem:$0x3F99];
	s0 =	simm.s32 @p1 $0x1  }
0x15: {  	[smem:$0x3FB6] =	sst s0;
	s0 =	simm.s32 @!p2 $0x0  }
0x16: {  	s3 =	sld [smem:$0x3FDB];
	s0 =	simm.s32 @p2 $0x1  }
0x17: {  	s4 =	simm.s32 $0x1BF5;
	[smem:$0x3FB8] =	sst s0  }
0x18: {  	s0 =	sld [smem:$0x3F9B];
	_ =	swait.ge [sflag:s4], $0x0  }
0x19: {  	s7 =	sld [smem:$0x3F9C]  }
0x1a: {  	s8 =	sadd.s32 $0xFFFFE003, lr  }
0x1b: {  	s9 =	sadd.s32 $0xFFFFFEF7, lr;
	s5 =	simm.s32 $0xFFFFFFFF;
	p2 =	slt.u32 s8, $0xFFFFF086  }
0x1c: {  	p1 =	slt.u32 s9, $0xF7A;
	s5 =	simm.s32 @!p2 $0x0  }
0x1d: {  	s5 =	simm.s32 @p1 $0x1;
	p0 =	seq.s32 s7, s2  }
0x1e: {  	s7 =	smul.u32 @!p0 $0xF7A, s2;
	p2 =	seq.s32 @!p0 s5, $0x0  }
0x1f: {  	s9 =	smul.u32 $0xF7A, s1;
	s8 =	simm.s32 @!p0 $0x1BF5;
	p2 =	por !p2, p0  }
0x20: {  	[sflag:s8] =	ssyncset.s32 @!p0 $0xFFFFF086;
	s6 =	sadd.s32 @!p0 s3, s7;
	s7 =	simm.s32 @!p0 $0x108  }
0x21: {  	s3 =	sadd.s32 s3, s9;
	s6 =	sadd.s32 @!p0 $0x88, s6;
	s7 =	simm.s32 @p2 $0x1082  }
0x22: {  	[simem:s7], [sflag:s8] =	dma.local @!p0 [hbm:s6], $0xF7A  }
0x23: {  	s9 =	sor.u32 $0xD0000000, s2;
	s6 =	simm.s32 $0x108;
	_ =	swait.ge @!p0 [sflag:s8], $0x0  }
0x24: {  	s3 =	sadd.s32 $0x88, s3;
	s6 =	simm.s32 @!p1 $0x1082;
	[sflag:s4] =	ssyncset.s32 $0xFFFFF086  }
0x25: {  	[simem:s6], [sflag:s4] =	dma.local [hbm:s3], $0xF7A  }
0x26: {  	[smem:$0x3F9C] =	sst s1;
	(tag) =	ssettag s2;
	_ =	strace s9  }
0x27: {  	s1 =	sld [smem:$0x3FAC]  }
0x28: {  	s2 =	sld [smem:$0x3FAD]  }
0x29: {  	s4 =	sld [smem:$0x3FAF]  }
0x2a: {  	p0 =	seq.s32 s5, $0x0;
	s5 =	sld [smem:$0x3FB0]  }
0x2b: {  	s6 =	sld [smem:$0x3FB1]  }
0x2c: {  	s7 =	sld [smem:$0x3FB2]  }
0x2d: {  	s3 =	simm.s32 $0x108;
	s8 =	sld [smem:$0x3FB3]  }
0x2e: {  	s3 =	simm.s32 @!p0 $0x1082;
	s9 =	sld [smem:$0x3FB4]  }
0x2f: {  	lr =	sadd.s32 s0, s3;
	s0 =	sld [smem:$0x3FAB]  }
0x30: {  	s3 =	sld [smem:$0x3FAE]  }
0x31: {  	[smem:$0x3FB7] =	sst s10  }
0x32: {  	s10 =	sld [smem:$0x3FB5];
	_ =	sdelay $0x3  }
0x33: {  	p0 =	seq.s32 s10, $0x1;
	s10 =	sld [smem:$0x3FB7];
	_ =	sdelay $0x3  }
0x34: {  	[smem:$0x3FB7] =	sst s10  }
0x35: {  	s10 =	sld [smem:$0x3FB6];
	_ =	sdelay $0x3  }
0x36: {  	p1 =	seq.s32 s10, $0x1;
	s10 =	sld [smem:$0x3FB7];
	_ =	sdelay $0x3  }
0x37: {  	[smem:$0x3FB7] =	sst s10  }
0x38: {  	s10 =	sld [smem:$0x3FB8]  }
0x39: {  	_ = 	snop;
	(pc) =	sbr.ind lr, $3  }
0x3a: {  	_ = 	snop  }
0x3b: {  	_ = 	snop  }
0x3c: {  	p2 =	seq.s32 s10, $0x1;
	s10 =	sld [smem:$0x3FB7]  }
0x3d: {  	_ =	shalt  }
0x3e: {  	_ =	shalt  }
0x3f: {  	_ =	shalt  }
0x40: {  	_ =	shalt  }
0x41: {  	_ =	shalt  }
0x42: {  	_ =	shalt  }
0x43: {  	_ =	shalt  }
0x44: {  	_ =	shalt  }
0x45: {  	_ =	shalt  }
0x46: {  	_ =	shalt  }
0x47: {  	_ =	shalt  }
0x48: {  	_ =	shalt  }
0x49: {  	_ =	shalt  }
0x4a: {  	_ =	shalt  }
0x4b: {  	_ =	shalt  }
0x4c: {  	_ =	shalt  }
0x4d: {  	_ =	shalt  }
0x4e: {  	_ =	shalt  }
0x4f: {  	_ =	shalt  }
0x50: {  	_ =	shalt  }
0x51: {  	_ =	shalt  }
0x52: {  	_ =	shalt  }
0x53: {  	_ =	shalt  }
0x54: {  	_ =	shalt  }
0x55: {  	_ =	shalt  }
0x56: {  	_ =	shalt  }
0x57: {  	_ =	shalt  }
0x58: {  	_ =	shalt  }
0x59: {  	_ =	shalt  }
0x5a: {  	_ =	shalt  }
0x5b: {  	_ =	shalt  }
0x5c: {  	_ =	shalt  }
0x5d: {  	_ =	shalt  }
0x5e: {  	_ =	shalt  }
0x5f: {  	_ =	shalt  }
0x60: {  	_ =	shalt  }
0x61: {  	_ =	shalt  }
0x62: {  	_ =	shalt  }
0x63: {  	_ =	shalt  }
0x64: {  	_ =	shalt  }
0x65: {  	_ =	shalt  }
0x66: {  	_ =	shalt  }
0x67: {  	_ =	shalt  }
0x68: {  	_ =	shalt  }
0x69: {  	_ =	shalt  }
0x6a: {  	_ =	shalt  }
0x6b: {  	_ =	shalt  }
0x6c: {  	_ =	shalt  }
0x6d: {  	_ =	shalt  }
0x6e: {  	_ =	shalt  }
0x6f: {  	_ =	shalt  }
0x70: {  	_ =	shalt  }
0x71: {  	_ =	shalt  }
0x72: {  	_ =	shalt  }
0x73: {  	_ =	shalt  }
0x74: {  	_ =	shalt  }
0x75: {  	_ =	shalt  }
0x76: {  	_ =	shalt  }
0x77: {  	_ =	shalt  }
0x78: {  	_ =	shalt  }
0x79: {  	_ =	shalt  }
0x7a: {  	_ =	shalt  }
0x7b: {  	_ =	shalt  }
0x7c: {  	_ =	shalt  }
0x7d: {  	_ =	shalt  }
0x7e: {  	_ =	shalt  }
0x7f: {  	_ =	shalt  }
0x80: {  	_ =	shalt  }
0x81: {  	_ =	shalt  }
0x82: {  	_ =	shalt  }
0x83: {  	_ =	shalt  }
0x84: {  	_ =	shalt  }
0x85: {  	_ =	shalt  }
0x86: {  	_ =	shalt  }
0x87: {  	_ =	shalt  }
.Lfunc_end0:
.L_simem_size_0:
called_computation_lowered:
.L_overlay_start_0:
0x88: {  	s2 =	sld [smem:$0x3FD9]  }
0x89: {  	s3 =	sld [smem:$0x3FFE];
	_ =	sdelay $0x1  }
0x8a: {  	s1 =	srdreg.scid  }
0x8b: {  	s0 =	sand.u32 $0x1, s1  }
0x8c: {  	s17 =	sshll.u32 s0, $0xA;
	s2 =	sadd.s32 s3, s2  }
0x8d: {  	s2 =	sadd.s32 s2, s17  }
0x8e: {  	[smem:$0x3FC3] =	sst s2  }
0x8f: {  	_ = 	snop  }
0x90: {  	s2 =	sld [smem:$0x3FD0];
	(tm) =	ssettm $0x1  }
0x91: {  	s18 =	sld [smem:$0x3FFB];
	_ =	sdelay $0x3  }
0x92: {  	_ =	strace s18  }
0x93: {  	s3 =	sld [smem:$0x3FFC];
	_ =	sdelay $0x3  }
0x94: {  	_ =	strace s3  }
0x95: {  	s3 =	sld [smem:$0x3FFD];
	_ =	sdelay $0x3  }
0x96: {  	_ =	strace s3  }
0x97: {  	_ =	strace $0x8FFFFFFF  }
0x98: {  	s19 =	sld [smem:$0x3FDB];
	_ =	sdelay $0x1  }
0x99: {  	s4 =	simm.s32 $_scs_section_size  }
0x9a: {  	s5 =	simm.s32 $_size__tile_overlayer_lowered;
	s6 =	simm.s32 $_tile_overlayer_lowered  }
0x9b: {  	s22 =	simm.s32 $0x1BFF;
	s21 =	sshll.u32 s6, $0x1;
	s3 =	sadd.s32 s4, s19  }
0x9c: {  	s7 =	simm.s32 $0x0;
	s20 =	sshll.u32 s5, $0x1;
	s5 =	sadd.s32 s21, s3  }
0x9d: {  	[timem:s7], [sflag:s22] =	dma.local [hbm:s5], s20  }
0x9e: {  	_ =	swait.ge [sflag:s22], s20  }
0x9f: {  	s4 =	ssub.s32 $0x0, s20;
	[sflag:s22] =	ssyncset.done $0x0  }
0xa0: {  	[sflag:s22] =	ssyncadd.s32 s4;
	_ =	sdelay $0x1  }
0xa1: {  	s23 =	simm.s32 $0x1B8B  }
0xa2: {  	_ =	swait.ge [sflag:s23], $0x1  }
0xa3: {  	[sflag:s23] =	ssyncset.done $0x0  }
0xa4: {  	s25 =	simm.s32 $0x1B8E;
	s24 =	sld [smem:$0x3FFE];
	[sflag:s23] =	ssyncadd.s32 $0xFFFFFFFF  }
0xa5: {  	s26 =	simm.s32 $execute0_lowered;
	[smem:$0x3FD2] =	sst s25  }
0xa6: {  	s5 =	sshll.u32 s26, $0x1;
	_ =	strace $0x80000046;
	[dreg:$0x1] =	wrdreg $0xFFFFFFFF  }
0xa7: {  	s28 =	simm.s32 $_size_execute0_lowered;
	s3 =	sadd.s32 s3, s5;
	[dreg:$0x0] =	wrdreg $0x0  }
0xa8: {  	s5 =	sshll.u32 s28, $0x1;
	[dreg:$0x2] =	wrdreg s3  }
0xa9: {  	[dreg:$0x3] =	wrdreg s5  }
0xaa: {  	[dreg:$0x4] =	wrdreg $0xC0  }
0xab: {  	_ =	task [dreg:s7], $0x5FFFF  }
0xac: {  	[dreg:$0x1] =	wrdreg $0xFFFFFFFF  }
0xad: {  	[dreg:$0x0] =	wrdreg $0x60  }
0xae: {  	[dreg:$0x2] =	wrdreg s2  }
0xaf: {  	[dreg:$0x3] =	wrdreg s24  }
0xb0: {  	[dreg:$0x4] =	wrdreg $0x9  }
0xb1: {  	_ =	task.clear_ibuf [dreg:s7], $0x5FFFF;
	_ =	strace $0x90000046  }
0xb2: {  	s29 =	simm.s32 $0x9;
	_ =	strace $0x80000048  }
0xb3: {  	_ =	swait.ge [sflag:s29], $0x1  }
0xb4: {  	[sflag:s29] =	ssyncadd.s32 $0xFFFFFFFF  }
0xb5: {  	_ =	strace $0x90000048  }
0xb6: {  	_ =	sfence  }
0xb7: {  	s30 =	sld [smem:$0x0];
	_ =	sdelay $0x2  }
0xb8: {  	s31 =	sshll.u32 s1, $0xD;
	s1 =	sshrl.u32 s1, $0x2  }
0xb9: {  	s3 =	sand.u32 $0x4000, s31;
	s1 =	sadd.s32 s1, s30  }
0xba: {  	s0 =	sor.u32 s3, s0;
	s1 =	sshll.u32 s1, $0x11  }
0xbb: {  	s0 =	sor.u32 s1, s0  }
0xbc: {  	s0 =	sadd.s32 $0x8F2B, s0  }
0xbd: {  	[sflag:s0] =	ssyncadd.remote.s32 $0x1  }
0xbe: {  	_ =	sfence.sel $0xFFFF  }
0xbf: {  	[dreg:$0x0] =	wrdreg $0xFFFFFFFF;
	(pc) =	sbr.abs _section_cstart, $3  }
0xc0: {  	[dreg:$0x1] =	wrdreg $0xFFFFFFFF  }
0xc1: {  	_ =	task.clear_ibuf [dreg:s7], $0x2FFFF;
	_ =	strace $0x9FFFFFFF  }
0xc2: {  	(tm) =	ssettm $0x7FFFFFFF  }
0xc3: {  	_ =	shalt  }
tec
execute0_lowered:
.L_overlay_start_1:
0x0: {  	(tag) =	ssettag $0x1  }
0x1: {  	s2 =	rddreg [dreg:$0x0]  }
0x2: {  	s7 =	rddreg [dreg:$0x1]  }
0x3: {  	s0 =	rddreg [dreg:$0x2]  }
0x4: {  	s1 =	srdreg.scid;
	_ =	strace $0x80000047;
	s4 =	simm.s32 $0x1  }
0x5: {  	s9 =	simm.s32 $0x3;
	s12 =	simm.s32 $0x0;
	s5 =	sshll.u32 s1, $0x4  }
.Ltmp0:
0x6: {  	s1 =	stileid.u32;
	s5 =	sand.u32 $0x10, s5;
	(pc) =	sbr.rel .LBB2_1-.Ltmp0, $4  }
0x7: {  	s10 =	simm.s32 $0x0;
	s3 =	sadd.s32 $0x2000, s7;
	s6 =	sor.u32 s1, s5  }
0x8: {  	[sflag:s4] =	ssyncpa.u1 $0x0;
	s5 =	simm.s32 $0x2;
	s6 =	sshll.u32 s6, $0x8  }
0x9: {  	s7 =	sadd.s32 $0x2400, s7;
	[sflag:s5] =	ssyncpa.u1 $0x0;
	s8 =	sadd.s32 $0x100, s6  }
0xa: {  	vm0 =	vmmov $0xff;
	vm1 =	vcmask $0x3F20;
	[sflag:s9] =	ssyncpa.u1 $0x0;
	s9 =	simm.s32 $0x100;
	s11 =	smov.u32 s6  }
.LBB2_9:
0xb: {  	p0 =	seq.s32 s10, $0x2  }
.Ltmp1:
0xc: {  	_ = 	snop;
	(pc) =	sbr.rel @p0 .LBB2_11-.Ltmp1, $1  }
0xd: {  	_ =	sdelay $0x3  }
.LBB2_10:
0xe: {  	s12 =	sadd.s32 $0x100, s11  }
0xf: {  	s13 =	smov.u32 s6;
	p0 =	slt.s32 s12, s8  }
0x10: {  	s13 =	smov.u32 @p0 s12  }
0x11: {  	s10 =	sadd.s32 $0x1, s10;
	s12 =	smov.u32 s11;
	s11 =	smov.u32 s13  }
.LBB2_1:
0x12: {  	p0 =	sne.s32 s10, $0x0  }
.Ltmp2:
0x13: {  	_ = 	snop;
	(pc) =	sbr.rel @!p0 .LBB2_2-.Ltmp2, $1  }
0x14: {  	_ =	sdelay $0x3  }
0x15: {  	s13 =	sand.u32 $0x1, s10  }
0x16: {  	p0 =	seq.s32 s13, $0x0  }
.Ltmp3:
0x17: {  	_ = 	snop;
	(pc) =	sbr.rel @p0 .LBB2_9-.Ltmp3, $1  }
0x18: {  	_ =	sdelay $0x3  }
0x19: {  	_ =	swait.ge [sflag:s5], $0x100  }
0x1a: {  	[sflag:s5] =	ssyncset.done $0x0  }
0x1b: {  	s13 =	simm.s32 $0x0;
	[sflag:s5] =	ssyncadd.s32 $0xFFFFFF00  }
0x1c: {  	v0 =	vld.msk [tilespmem:s13+$0x100 ss:$0x1], $0xffff;
	_ =	sdelay $0x4  }
0x1d: {  	vm2 =	vgt.s32 v0, $0x0  }
0x1e: {  	v0 =	vnsel vm2, $0x0, v0  }
0x1f: {  	v0 =	vmin.u32 v0, $0x3FFF  }
0x20: {  	v0 =	vshll.u32 v0, $0x4;
	_ =	sdelay $0x3  }
0x21: {  	s13 =	simm.s32 $0x8200  }
0x22: {  	[tilespmem:s13], [sflag:$0x1] =	stream.indirect_vreg.gather [hbm:s2], $0x80, v0, vm0, $0x38;
	[tilespmem:$0x10200] =	vst v63  }
0x23: {  	s14 =	simm.s32 $0x8600;
	s31 =	simm.s32 $0x10  }
0x24: {  	[tilespmem:s14], [sflag:$0x1] =	stream.indirect_vreg.gather [hbm:s2], $0x80, v0, vm1, $0x38;
	[tilespmem:$0x10200] =	vst v63  }
0x25: {  	s14 =	simm.s32 $0x80;
	v0 =	vld.msk [tilespmem:s31+$0x100 ss:$0x1], $0xffff  }
.LBB2_5:
0x26: {  	p0 =	sne.s32 s14, $0x3C0;
	_ =	sdelay $0x4  }
0x27: {  	vm2 =	vgt.s32 v0, $0x0  }
0x28: {  	v0 =	vnsel vm2, $0x0, v0  }
0x29: {  	v0 =	vmin.u32 v0, $0x3FFF  }
0x2a: {  	v0 =	vshll.u32 v0, $0x4;
	_ =	sdelay $0x3  }
.Ltmp4:
0x2b: {  	s13 =	sadd.s32 $0x800, s13;
	(pc) =	sbr.rel @p0 .LBB2_5-.Ltmp4, $4  }
0x2c: {  	[tilespmem:s13], [sflag:$0x1] =	stream.indirect_vreg.gather [hbm:s2], $0x80, v0, vm0, $0x38;
	[tilespmem:$0x10200] =	vst v63  }
0x2d: {  	s15 =	sshra.s32 s14, $0x2;
	s16 =	sadd.s32 $0x400, s13  }
0x2e: {  	[tilespmem:s16], [sflag:$0x1] =	stream.indirect_vreg.gather [hbm:s2], $0x80, v0, vm1, $0x38;
	[tilespmem:$0x10200] =	vst v63  }
0x2f: {  	s14 =	sadd.s32 $0x40, s14;
	v0 =	vld.msk [tilespmem:s15+$0x100 ss:$0x1], $0xffff  }
0x30: {  	_ =	sdelay $0x3  }
0x31: {  	vm2 =	vgt.s32 v0, $0x0  }
0x32: {  	v0 =	vnsel vm2, $0x0, v0  }
0x33: {  	v0 =	vmin.u32 v0, $0x3FFF  }
0x34: {  	v0 =	vshll.u32 v0, $0x4;
	_ =	sdelay $0x3  }
0x35: {  	s13 =	sadd.s32 $0x800, s13  }
0x36: {  	[tilespmem:s13], [sflag:$0x1] =	stream.indirect_vreg.gather [hbm:s2], $0x80, v0, vm0, $0x38;
	[tilespmem:$0x10200] =	vst v63  }
0x37: {  	s13 =	sadd.s32 $0x400, s13  }
0x38: {  	[tilespmem:s13], [sflag:$0x1] =	stream.indirect_vreg.gather [hbm:s2], $0x80, v0, vm1, $0x38;
	[tilespmem:$0x10200] =	vst v63  }
0x39: {  	s12 =	sshll.u32 s12, $0x4;
	s14 =	simm.s32 $0x80;
	_ =	swait.ge [sflag:s4], $0x8000  }
0x3a: {  	s15 =	simm.s32 $0x8600;
	s12 =	sadd.s32 s12, s7;
	[sflag:s4] =	ssyncset.done $0x0  }
0x3b: {  	s16 =	sadd.s32 $0x0, s12;
	s13 =	simm.s32 $0x8200;
	[sflag:s4] =	ssyncadd.s32 $0xFFFF8000  }
.LBB2_7:
0x3c: {  	[hbm:s16] =	stream.linear.scatter [tilespmem:s13], [sflag:$0x3], $0x400, $0x38;
	[tilespmem:$0x10200] =	vst v63  }
0x3d: {  	s16 =	smov.u32 s14;
	s13 =	smov.u32 s15;
	p0 =	sne.s32 s14, $0xF80  }
.Ltmp5:
0x3e: {  	s14 =	sadd.s32 $0x80, s14;
	(pc) =	sbr.rel @p0 .LBB2_7-.Ltmp5, $2  }
0x3f: {  	_ =	sdelay $0x2  }
0x40: {  	s15 =	sadd.s32 $0x400, s15;
	s16 =	sadd.s32 s16, s12  }
.Ltmp6:
0x41: {  	(pc) =	sbr.rel .LBB2_9-.Ltmp6, $2  }
0x42: {  	_ =	sdelay $0x2  }
0x43: {  	[hbm:s16] =	stream.linear.scatter [tilespmem:s13], [sflag:$0x3], $0x400, $0x38;
	[tilespmem:$0x10200] =	vst v63  }
.LBB2_2:
.Ltmp7:
0x44: {  	(pc) =	sbr.rel .LBB2_10-.Ltmp7, $4  }
0x45: {  	_ = 	snop  }
0x46: {  	s12 =	sshrl.u32 s11, $0x3  }
0x47: {  	s13 =	sand.u32 $0x7, s11;
	s12 =	sadd.s32 s3, s12  }
0x48: {  	[tilespmem:s9], [sflag:$0x2] =	stream.linear.gather [hbm4b:s12+s13], $0x100, $0x38;
	[tilespmem:$0x10200] =	vst v63  }
.LBB2_11:
0x49: {  	s2 =	simm.s32 $0x3  }
0x4a: {  	_ =	swait.ge [sflag:s2], $0x8000  }
0x4b: {  	[sflag:s2] =	ssyncset.done $0x0  }
0x4c: {  	[sflag:s2] =	ssyncadd.s32 $0xFFFF8000  }
0x4d: {  	_ =	sfence.sel $0x180000  }
0x4e: {  	s3 =	simm.s32 $0x2;
	[bflag:$0x0] =	sbarrier.arrive $0xFFFF  }
0x4f: {  	[sflag:s3] =	ssyncpa.u1 $0x1  }
0x50: {  	s31 =	simm.s32 $0x1;
	[sflag:s2] =	ssyncpa.u1 $0x1  }
0x51: {  	[sflag:s31] =	ssyncpa.u1 $0x1  }
0x52: {  	p0 =	sne.s32 s1, $0x0;
	_ =	strace $0x90000047  }
0x53: {  	s0 =	sadd.s32 @!p0 $0x100000, s0;
	[bflag:$0x2] =	sbarrier.arrive $0xFFFF  }
0x54: {  	[sflag:s0] =	ssyncadd.tile.s32 @!p0 $0x1;
	_ =	shalt  }
.Lfunc_end2:
_tile_overlayer_lowered:
.L_overlay_start_2:
0x55: {  	(tag) =	ssettag $0x2  }
0x56: {  	s0 =	rddreg [dreg:$0x0];
	s2 =	stileid.u32  }
0x57: {  	s1 =	rddreg [dreg:$0x1];
	p0 =	sne.s32 s2, $0x0  }
0x58: {  	s3 =	rddreg [dreg:$0x2];
	[bflag:$0x3] =	sbarrier.arrive $0xFFFF;
	s2 =	simm.s32 @!p0 $0x1C01  }
0x59: {  	[timem:s3], [sflag:s2] =	dma.local @!p0 [hbm:s0], s1  }
0x5a: {  	s0 =	simm.s32 @!p0 $0x1  }
0x5b: {  	_ =	swait.ge @!p0 [sflag:s0], s1  }
0x5c: {  	s1 =	ssub.s32 @!p0 $0x0, s1;
	[sflag:s0] =	ssyncset.done @!p0 $0x0  }
0x5d: {  	[sflag:s0] =	ssyncadd.s32 @!p0 s1  }
0x5e: {  	[bflag:$0x3] =	sbarrier.arrive $0xFFFF  }
0x5f: {  	_ =	shalt  }

// kernel: kernel.6.cloned.1.call-start
scs
__scs_entry_jumppad:
0x0: {  	(pc) =	sbr.rel $0x88, $3  }
0x1: {  	(tag) =	ssettag $0x0;
	lr =	simm.s32 $0x1  }
0x2: {  	[smem:$0x3F9C] =	sst lr;
	_ =	strace $0xD0000000  }
0x3: {  	_ = 	snop  }
0x4: {  	_ = 	snop  }
0x5: {  	_ = 	snop  }
0x6: {  	_ = 	snop  }
0x7: {  	_ = 	snop  }
__scs_overlays_trampoline_lowered:
0x8: {  	[smem:$0x3FAB] =	sst s0  }
0x9: {  	[smem:$0x3FAC] =	sst s1  }
0xa: {  	[smem:$0x3FAD] =	sst s2  }
0xb: {  	[smem:$0x3FAE] =	sst s3  }
0xc: {  	[smem:$0x3FAF] =	sst s4  }
0xd: {  	[smem:$0x3FB0] =	sst s5  }
0xe: {  	[smem:$0x3FB1] =	sst s6  }
0xf: {  	[smem:$0x3FB2] =	sst s7  }
0x10: {  	[smem:$0x3FB3] =	sst s8  }
0x11: {  	[smem:$0x3FB4] =	sst s9;
	s0 =	simm.s32 @!p0 $0x0  }
0x12: {  	s1 =	sld [smem:$0x3F9A];
	s0 =	simm.s32 @p0 $0x1  }
0x13: {  	[smem:$0x3FB5] =	sst s0;
	s0 =	simm.s32 @!p1 $0x0  }
0x14: {  	s2 =	sld [smem:$0x3F99];
	s0 =	simm.s32 @p1 $0x1  }
0x15: {  	[smem:$0x3FB6] =	sst s0;
	s0 =	simm.s32 @!p2 $0x0  }
0x16: {  	s3 =	sld [smem:$0x3FDB];
	s0 =	simm.s32 @p2 $0x1  }
0x17: {  	s4 =	simm.s32 $0x1BF5;
	[smem:$0x3FB8] =	sst s0  }
0x18: {  	s0 =	sld [smem:$0x3F9B];
	_ =	swait.ge [sflag:s4], $0x0  }
0x19: {  	s7 =	sld [smem:$0x3F9C]  }
0x1a: {  	s8 =	sadd.s32 $0xFFFFE003, lr  }
0x1b: {  	s9 =	sadd.s32 $0xFFFFFEF7, lr;
	s5 =	simm.s32 $0xFFFFFFFF;
	p2 =	slt.u32 s8, $0xFFFFF086  }
0x1c: {  	p1 =	slt.u32 s9, $0xF7A;
	s5 =	simm.s32 @!p2 $0x0  }
0x1d: {  	s5 =	simm.s32 @p1 $0x1;
	p0 =	seq.s32 s7, s2  }
0x1e: {  	s7 =	smul.u32 @!p0 $0xF7A, s2;
	p2 =	seq.s32 @!p0 s5, $0x0  }
0x1f: {  	s9 =	smul.u32 $0xF7A, s1;
	s8 =	simm.s32 @!p0 $0x1BF5;
	p2 =	por !p2, p0  }
0x20: {  	[sflag:s8] =	ssyncset.s32 @!p0 $0xFFFFF086;
	s6 =	sadd.s32 @!p0 s3, s7;
	s7 =	simm.s32 @!p0 $0x108  }
0x21: {  	s3 =	sadd.s32 s3, s9;
	s6 =	sadd.s32 @!p0 $0x88, s6;
	s7 =	simm.s32 @p2 $0x1082  }
0x22: {  	[simem:s7], [sflag:s8] =	dma.local @!p0 [hbm:s6], $0xF7A  }
0x23: {  	s9 =	sor.u32 $0xD0000000, s2;
	s6 =	simm.s32 $0x108;
	_ =	swait.ge @!p0 [sflag:s8], $0x0  }
0x24: {  	s3 =	sadd.s32 $0x88, s3;
	s6 =	simm.s32 @!p1 $0x1082;
	[sflag:s4] =	ssyncset.s32 $0xFFFFF086  }
0x25: {  	[simem:s6], [sflag:s4] =	dma.local [hbm:s3], $0xF7A  }
0x26: {  	[smem:$0x3F9C] =	sst s1;
	(tag) =	ssettag s2;
	_ =	strace s9  }
0x27: {  	s1 =	sld [smem:$0x3FAC]  }
0x28: {  	s2 =	sld [smem:$0x3FAD]  }
0x29: {  	s4 =	sld [smem:$0x3FAF]  }
0x2a: {  	p0 =	seq.s32 s5, $0x0;
	s5 =	sld [smem:$0x3FB0]  }
0x2b: {  	s6 =	sld [smem:$0x3FB1]  }
0x2c: {  	s7 =	sld [smem:$0x3FB2]  }
0x2d: {  	s3 =	simm.s32 $0x108;
	s8 =	sld [smem:$0x3FB3]  }
0x2e: {  	s3 =	simm.s32 @!p0 $0x1082;
	s9 =	sld [smem:$0x3FB4]  }
0x2f: {  	lr =	sadd.s32 s0, s3;
	s0 =	sld [smem:$0x3FAB]  }
0x30: {  	s3 =	sld [smem:$0x3FAE]  }
0x31: {  	[smem:$0x3FB7] =	sst s10  }
0x32: {  	s10 =	sld [smem:$0x3FB5];
	_ =	sdelay $0x3  }
0x33: {  	p0 =	seq.s32 s10, $0x1;
	s10 =	sld [smem:$0x3FB7];
	_ =	sdelay $0x3  }
0x34: {  	[smem:$0x3FB7] =	sst s10  }
0x35: {  	s10 =	sld [smem:$0x3FB6];
	_ =	sdelay $0x3  }
0x36: {  	p1 =	seq.s32 s10, $0x1;
	s10 =	sld [smem:$0x3FB7];
	_ =	sdelay $0x3  }
0x37: {  	[smem:$0x3FB7] =	sst s10  }
0x38: {  	s10 =	sld [smem:$0x3FB8]  }
0x39: {  	_ = 	snop;
	(pc) =	sbr.ind lr, $3  }
0x3a: {  	_ = 	snop  }
0x3b: {  	_ = 	snop  }
0x3c: {  	p2 =	seq.s32 s10, $0x1;
	s10 =	sld [smem:$0x3FB7]  }
0x3d: {  	_ =	shalt  }
0x3e: {  	_ =	shalt  }
0x3f: {  	_ =	shalt  }
0x40: {  	_ =	shalt  }
0x41: {  	_ =	shalt  }
0x42: {  	_ =	shalt  }
0x43: {  	_ =	shalt  }
0x44: {  	_ =	shalt  }
0x45: {  	_ =	shalt  }
0x46: {  	_ =	shalt  }
0x47: {  	_ =	shalt  }
0x48: {  	_ =	shalt  }
0x49: {  	_ =	shalt  }
0x4a: {  	_ =	shalt  }
0x4b: {  	_ =	shalt  }
0x4c: {  	_ =	shalt  }
0x4d: {  	_ =	shalt  }
0x4e: {  	_ =	shalt  }
0x4f: {  	_ =	shalt  }
0x50: {  	_ =	shalt  }
0x51: {  	_ =	shalt  }
0x52: {  	_ =	shalt  }
0x53: {  	_ =	shalt  }
0x54: {  	_ =	shalt  }
0x55: {  	_ =	shalt  }
0x56: {  	_ =	shalt  }
0x57: {  	_ =	shalt  }
0x58: {  	_ =	shalt  }
0x59: {  	_ =	shalt  }
0x5a: {  	_ =	shalt  }
0x5b: {  	_ =	shalt  }
0x5c: {  	_ =	shalt  }
0x5d: {  	_ =	shalt  }
0x5e: {  	_ =	shalt  }
0x5f: {  	_ =	shalt  }
0x60: {  	_ =	shalt  }
0x61: {  	_ =	shalt  }
0x62: {  	_ =	shalt  }
0x63: {  	_ =	shalt  }
0x64: {  	_ =	shalt  }
0x65: {  	_ =	shalt  }
0x66: {  	_ =	shalt  }
0x67: {  	_ =	shalt  }
0x68: {  	_ =	shalt  }
0x69: {  	_ =	shalt  }
0x6a: {  	_ =	shalt  }
0x6b: {  	_ =	shalt  }
0x6c: {  	_ =	shalt  }
0x6d: {  	_ =	shalt  }
0x6e: {  	_ =	shalt  }
0x6f: {  	_ =	shalt  }
0x70: {  	_ =	shalt  }
0x71: {  	_ =	shalt  }
0x72: {  	_ =	shalt  }
0x73: {  	_ =	shalt  }
0x74: {  	_ =	shalt  }
0x75: {  	_ =	shalt  }
0x76: {  	_ =	shalt  }
0x77: {  	_ =	shalt  }
0x78: {  	_ =	shalt  }
0x79: {  	_ =	shalt  }
0x7a: {  	_ =	shalt  }
0x7b: {  	_ =	shalt  }
0x7c: {  	_ =	shalt  }
0x7d: {  	_ =	shalt  }
0x7e: {  	_ =	shalt  }
0x7f: {  	_ =	shalt  }
0x80: {  	_ =	shalt  }
0x81: {  	_ =	shalt  }
0x82: {  	_ =	shalt  }
0x83: {  	_ =	shalt  }
0x84: {  	_ =	shalt  }
0x85: {  	_ =	shalt  }
0x86: {  	_ =	shalt  }
0x87: {  	_ =	shalt  }
.Lfunc_end0:
.L_simem_size_0:
called_computation.1_lowered:
.L_overlay_start_0:
0x88: {  	s2 =	sld [smem:$0x3FD9]  }
0x89: {  	s3 =	sld [smem:$0x3FFE];
	_ =	sdelay $0x1  }
0x8a: {  	s1 =	srdreg.scid  }
0x8b: {  	s0 =	sand.u32 $0x1, s1  }
0x8c: {  	s16 =	sshll.u32 s0, $0xA;
	s2 =	sadd.s32 s3, s2  }
0x8d: {  	s2 =	sadd.s32 s2, s16  }
0x8e: {  	[smem:$0x3FC3] =	sst s2  }
0x8f: {  	_ = 	snop  }
0x90: {  	(tm) =	ssettm $0x1  }
0x91: {  	s17 =	sld [smem:$0x3FFB];
	_ =	sdelay $0x3  }
0x92: {  	_ =	strace s17  }
0x93: {  	s2 =	sld [smem:$0x3FFC];
	_ =	sdelay $0x3  }
0x94: {  	_ =	strace s2  }
0x95: {  	s2 =	sld [smem:$0x3FFD];
	_ =	sdelay $0x3  }
0x96: {  	_ =	strace s2  }
0x97: {  	_ =	strace $0x8FFFFFFF  }
0x98: {  	s18 =	sld [smem:$0x3FDB];
	_ =	sdelay $0x1  }
0x99: {  	s19 =	simm.s32 $_scs_section_size  }
0x9a: {  	s4 =	simm.s32 $_size__tile_overlayer_lowered;
	s5 =	simm.s32 $_tile_overlayer_lowered  }
0x9b: {  	s22 =	simm.s32 $0x1BFF;
	s21 =	sshll.u32 s5, $0x1;
	s2 =	sadd.s32 s19, s18  }
0x9c: {  	s6 =	simm.s32 $0x0;
	s20 =	sshll.u32 s4, $0x1;
	s4 =	sadd.s32 s21, s2  }
0x9d: {  	[timem:s6], [sflag:s22] =	dma.local [hbm:s4], s20  }
0x9e: {  	_ =	swait.ge [sflag:s22], s20  }
0x9f: {  	s3 =	ssub.s32 $0x0, s20;
	[sflag:s22] =	ssyncset.done $0x0  }
0xa0: {  	[sflag:s22] =	ssyncadd.s32 s3;
	_ =	sdelay $0x1  }
0xa1: {  	s23 =	simm.s32 $0x1B8B  }
0xa2: {  	_ =	swait.ge [sflag:s23], $0x1  }
0xa3: {  	[sflag:s23] =	ssyncset.done $0x0  }
0xa4: {  	s25 =	simm.s32 $0x1B8E;
	s24 =	sld [smem:$0x3FFE];
	[sflag:s23] =	ssyncadd.s32 $0xFFFFFFFF  }
0xa5: {  	s26 =	simm.s32 $execute0_lowered;
	[smem:$0x3FD2] =	sst s25  }
0xa6: {  	s4 =	sshll.u32 s26, $0x1;
	_ =	strace $0x80000049;
	[dreg:$0x1] =	wrdreg $0xFFFFFFFF  }
0xa7: {  	s28 =	simm.s32 $_size_execute0_lowered;
	s2 =	sadd.s32 s2, s4;
	[dreg:$0x0] =	wrdreg $0x0  }
0xa8: {  	s4 =	sshll.u32 s28, $0x1;
	[dreg:$0x2] =	wrdreg s2  }
0xa9: {  	[dreg:$0x3] =	wrdreg s4  }
0xaa: {  	[dreg:$0x4] =	wrdreg $0xC0  }
0xab: {  	_ =	task [dreg:s6], $0x5FFFF  }
0xac: {  	[dreg:$0x1] =	wrdreg $0xFFFFFFFF  }
0xad: {  	[dreg:$0x0] =	wrdreg $0x60  }
0xae: {  	[dreg:$0x2] =	wrdreg s24  }
0xaf: {  	[dreg:$0x3] =	wrdreg $0x9  }
0xb0: {  	_ =	task.clear_ibuf [dreg:s6], $0x4FFFF;
	_ =	strace $0x90000049  }
0xb1: {  	s29 =	simm.s32 $0x9;
	_ =	strace $0x8000004B  }
0xb2: {  	_ =	swait.ge [sflag:s29], $0x1  }
0xb3: {  	[sflag:s29] =	ssyncadd.s32 $0xFFFFFFFF  }
0xb4: {  	_ =	strace $0x9000004B  }
0xb5: {  	_ =	sfence  }
0xb6: {  	s30 =	sld [smem:$0x0];
	_ =	sdelay $0x2  }
0xb7: {  	s31 =	sshll.u32 s1, $0xD;
	s1 =	sshrl.u32 s1, $0x2  }
0xb8: {  	s3 =	sand.u32 $0x4000, s31;
	s1 =	sadd.s32 s1, s30  }
0xb9: {  	s0 =	sor.u32 s3, s0;
	s1 =	sshll.u32 s1, $0x11  }
0xba: {  	s0 =	sor.u32 s1, s0  }
0xbb: {  	s0 =	sadd.s32 $0x8F2B, s0  }
0xbc: {  	[sflag:s0] =	ssyncadd.remote.s32 $0x1  }
0xbd: {  	_ =	sfence.sel $0xFFFF  }
0xbe: {  	[dreg:$0x0] =	wrdreg $0xFFFFFFFF;
	(pc) =	sbr.abs _section_cstart, $3  }
0xbf: {  	[dreg:$0x1] =	wrdreg $0xFFFFFFFF  }
0xc0: {  	_ =	task.clear_ibuf [dreg:s6], $0x2FFFF;
	_ =	strace $0x9FFFFFFF  }
0xc1: {  	(tm) =	ssettm $0x7FFFFFFF  }
tec
execute0_lowered:
.L_overlay_start_1:
0x0: {  	(tag) =	ssettag $0x1  }
0x1: {  	s4 =	rddreg [dreg:$0x0];
	s0 =	srdreg.scid  }
0x2: {  	s1 =	stileid.u32;
	s2 =	simm.s32 $0x0;
	s31 =	sand.u32 $0x1, s0  }
0x3: {  	s1 =	sshll.u32 s1, $0xE;
	[smem:$0x7FF] =	sst s2;
	s3 =	sshll.u32 s31, $0xD  }
0x4: {  	s30 =	sadd.s32 $0x2000, s4;
	s0 =	sadd.s32 $0x62400, s4;
	s1 =	sor.u32 s3, s1  }
0x5: {  	_ =	strace $0x8000004A;
	s3 =	sshrl.u32 s1, $0x3;
	s5 =	sshll.u32 s1, $0x4  }
0x6: {  	s9 =	sor.u32 $0x200, s1;
	s6 =	sor.u32 $0x400, s1;
	s3 =	sadd.s32 s30, s3  }
0x7: {  	s8 =	sadd.s32 s0, s5;
	s10 =	sshrl.u32 s9, $0x3;
	[dreg:$0x2] =	wrdreg s3  }
0x8: {  	s5 =	sshll.u32 s9, $0x4;
	[dreg:$0x3] =	wrdreg s8;
	s3 =	sadd.s32 s30, s10  }
0x9: {  	s12 =	sshrl.u32 s6, $0x3;
	s11 =	sadd.s32 s0, s5;
	[dreg:$0x4] =	wrdreg s3  }
0xa: {  	s14 =	sshll.u32 s6, $0x4;
	s13 =	sadd.s32 s30, s12;
	[dreg:$0x5] =	wrdreg s11  }
0xb: {  	s16 =	sor.u32 $0x600, s1;
	s15 =	sadd.s32 s0, s14;
	[dreg:$0x6] =	wrdreg s13  }
0xc: {  	s17 =	sshrl.u32 s16, $0x3;
	[dreg:$0x7] =	wrdreg s15  }
0xd: {  	s5 =	sshll.u32 s16, $0x4;
	s3 =	sadd.s32 s30, s17;
	s18 =	rddreg [dreg:$0x2]  }
0xe: {  	s19 =	sadd.s32 s0, s5;
	[dreg:$0x8] =	wrdreg s3  }
0xf: {  	[dreg:$0x9] =	wrdreg s19;
	s3 =	simm.s32 $0x2  }
0x10: {  	[tilespmem:s2], [sflag:$0x2] =	stream.linear.gather [hbm4b:s18+s2], $0x200, $0x38;
	[tilespmem:$0x10200] =	vst v63  }
0x11: {  	_ =	swait.ge [sflag:s3], $0x200  }
0x12: {  	s4 =	sadd.s32 $0x22400, s4;
	[sflag:s3] =	ssyncset.done $0x0  }
0x13: {  	s6 =	simm.s32 $0x1;
	s5 =	simm.s32 $0x200;
	[sflag:s3] =	ssyncadd.s32 $0xFFFFFE00  }
0x14: {  	[tilespmem:s5], [sflag:$0x1] =	stream.indirect.gather [hbm4b:s4+s5], $0x80, s2, s5, $0xb8;
	[tilespmem:$0x10200] =	vst v63  }
0x15: {  	_ =	swait.ge [sflag:s6], $0x10000  }
0x16: {  	[sflag:s6] =	ssyncset.done $0x0  }
0x17: {  	s7 =	rddreg [dreg:$0x3];
	[sflag:s6] =	ssyncadd.s32 $0xFFFF0000  }
0x18: {  	[hbm4b:s7+s2] =	stream.linear.scatter [tilespmem:s5], [sflag:$0x2], $0x10000, $0x38;
	[tilespmem:$0x10200] =	vst v63  }
0x19: {  	_ =	swait.ge [sflag:s3], $0x10000  }
0x1a: {  	[sflag:s3] =	ssyncset.done $0x0  }
0x1b: {  	s20 =	rddreg [dreg:$0x4];
	[sflag:s3] =	ssyncadd.s32 $0xFFFF0000  }
0x1c: {  	[tilespmem:s2], [sflag:$0x2] =	stream.linear.gather [hbm4b:s20+s2], $0x200, $0x38;
	[tilespmem:$0x10200] =	vst v63  }
0x1d: {  	_ =	swait.ge [sflag:s3], $0x200  }
0x1e: {  	[sflag:s3] =	ssyncset.done $0x0  }
0x1f: {  	[sflag:s3] =	ssyncadd.s32 $0xFFFFFE00  }
0x20: {  	[tilespmem:s5], [sflag:$0x1] =	stream.indirect.gather [hbm4b:s4+s5], $0x80, s2, s5, $0xb8;
	[tilespmem:$0x10200] =	vst v63  }
0x21: {  	_ =	swait.ge [sflag:s6], $0x10000  }
0x22: {  	[sflag:s6] =	ssyncset.done $0x0  }
0x23: {  	s21 =	rddreg [dreg:$0x5];
	[sflag:s6] =	ssyncadd.s32 $0xFFFF0000  }
0x24: {  	[hbm4b:s21+s2] =	stream.linear.scatter [tilespmem:s5], [sflag:$0x2], $0x10000, $0x38;
	[tilespmem:$0x10200] =	vst v63  }
0x25: {  	_ =	swait.ge [sflag:s3], $0x10000  }
0x26: {  	[sflag:s3] =	ssyncset.done $0x0  }
0x27: {  	s22 =	rddreg [dreg:$0x6];
	[sflag:s3] =	ssyncadd.s32 $0xFFFF0000  }
0x28: {  	[tilespmem:s2], [sflag:$0x2] =	stream.linear.gather [hbm4b:s22+s2], $0x200, $0x38;
	[tilespmem:$0x10200] =	vst v63  }
0x29: {  	_ =	swait.ge [sflag:s3], $0x200  }
0x2a: {  	[sflag:s3] =	ssyncset.done $0x0  }
0x2b: {  	[sflag:s3] =	ssyncadd.s32 $0xFFFFFE00  }
0x2c: {  	[tilespmem:s5], [sflag:$0x1] =	stream.indirect.gather [hbm4b:s4+s5], $0x80, s2, s5, $0xb8;
	[tilespmem:$0x10200] =	vst v63  }
0x2d: {  	_ =	swait.ge [sflag:s6], $0x10000  }
0x2e: {  	[sflag:s6] =	ssyncset.done $0x0  }
0x2f: {  	s23 =	rddreg [dreg:$0x7];
	[sflag:s6] =	ssyncadd.s32 $0xFFFF0000  }
0x30: {  	[hbm4b:s23+s2] =	stream.linear.scatter [tilespmem:s5], [sflag:$0x2], $0x10000, $0x38;
	[tilespmem:$0x10200] =	vst v63  }
0x31: {  	_ =	swait.ge [sflag:s3], $0x10000  }
0x32: {  	[sflag:s3] =	ssyncset.done $0x0  }
0x33: {  	s24 =	rddreg [dreg:$0x8];
	[sflag:s3] =	ssyncadd.s32 $0xFFFF0000  }
0x34: {  	[tilespmem:s2], [sflag:$0x2] =	stream.linear.gather [hbm4b:s24+s2], $0x200, $0x38;
	[tilespmem:$0x10200] =	vst v63  }
0x35: {  	_ =	swait.ge [sflag:s3], $0x200  }
0x36: {  	[sflag:s3] =	ssyncset.done $0x0  }
0x37: {  	[sflag:s3] =	ssyncadd.s32 $0xFFFFFE00  }
0x38: {  	[tilespmem:s5], [sflag:$0x1] =	stream.indirect.gather [hbm4b:s4+s5], $0x80, s2, s5, $0xb8;
	[tilespmem:$0x10200] =	vst v63  }
0x39: {  	_ =	swait.ge [sflag:s6], $0x10000  }
0x3a: {  	[sflag:s6] =	ssyncset.done $0x0  }
0x3b: {  	s25 =	rddreg [dreg:$0x9];
	[sflag:s6] =	ssyncadd.s32 $0xFFFF0000  }
0x3c: {  	[hbm4b:s25+s2] =	stream.linear.scatter [tilespmem:s5], [sflag:$0x2], $0x10000, $0x38;
	[tilespmem:$0x10200] =	vst v63  }
0x3d: {  	s8 =	sor.u32 $0x800, s1;
	_ =	swait.ge [sflag:s3], $0x10000  }
0x3e: {  	s26 =	sshrl.u32 s8, $0x3;
	[sflag:s3] =	ssyncset.done $0x0  }
0x3f: {  	s7 =	sadd.s32 s30, s26;
	[sflag:s3] =	ssyncadd.s32 $0xFFFF0000  }
0x40: {  	[tilespmem:s2], [sflag:$0x2] =	stream.linear.gather [hbm4b:s7+s2], $0x200, $0x38;
	[tilespmem:$0x10200] =	vst v63  }
0x41: {  	_ =	swait.ge [sflag:s3], $0x200  }
0x42: {  	[sflag:s3] =	ssyncset.done $0x0  }
0x43: {  	[sflag:s3] =	ssyncadd.s32 $0xFFFFFE00  }
0x44: {  	[tilespmem:s5], [sflag:$0x1] =	stream.indirect.gather [hbm4b:s4+s5], $0x80, s2, s5, $0xb8;
	[tilespmem:$0x10200] =	vst v63  }
0x45: {  	_ =	swait.ge [sflag:s6], $0x10000  }
0x46: {  	s8 =	sshll.u32 s8, $0x4;
	[sflag:s6] =	ssyncset.done $0x0  }
0x47: {  	s8 =	sadd.s32 s0, s8;
	[sflag:s6] =	ssyncadd.s32 $0xFFFF0000  }
0x48: {  	[hbm4b:s8+s2] =	stream.linear.scatter [tilespmem:s5], [sflag:$0x2], $0x10000, $0x38;
	[tilespmem:$0x10200] =	vst v63  }
0x49: {  	s10 =	sor.u32 $0xA00, s1;
	_ =	swait.ge [sflag:s3], $0x10000  }
0x4a: {  	s9 =	sshrl.u32 s10, $0x3;
	[sflag:s3] =	ssyncset.done $0x0  }
0x4b: {  	s9 =	sadd.s32 s30, s9;
	[sflag:s3] =	ssyncadd.s32 $0xFFFF0000  }
0x4c: {  	[tilespmem:s2], [sflag:$0x2] =	stream.linear.gather [hbm4b:s9+s2], $0x200, $0x38;
	[tilespmem:$0x10200] =	vst v63  }
0x4d: {  	_ =	swait.ge [sflag:s3], $0x200  }
0x4e: {  	[sflag:s3] =	ssyncset.done $0x0  }
0x4f: {  	[sflag:s3] =	ssyncadd.s32 $0xFFFFFE00  }
0x50: {  	[tilespmem:s5], [sflag:$0x1] =	stream.indirect.gather [hbm4b:s4+s5], $0x80, s2, s5, $0xb8;
	[tilespmem:$0x10200] =	vst v63  }
0x51: {  	_ =	swait.ge [sflag:s6], $0x10000  }
0x52: {  	s10 =	sshll.u32 s10, $0x4;
	[sflag:s6] =	ssyncset.done $0x0  }
0x53: {  	s10 =	sadd.s32 s0, s10;
	[sflag:s6] =	ssyncadd.s32 $0xFFFF0000  }
0x54: {  	[hbm4b:s10+s2] =	stream.linear.scatter [tilespmem:s5], [sflag:$0x2], $0x10000, $0x38;
	[tilespmem:$0x10200] =	vst v63  }
0x55: {  	s12 =	sor.u32 $0xC00, s1;
	_ =	swait.ge [sflag:s3], $0x10000  }
0x56: {  	s11 =	sshrl.u32 s12, $0x3;
	[sflag:s3] =	ssyncset.done $0x0  }
0x57: {  	s11 =	sadd.s32 s30, s11;
	[sflag:s3] =	ssyncadd.s32 $0xFFFF0000  }
0x58: {  	[tilespmem:s2], [sflag:$0x2] =	stream.linear.gather [hbm4b:s11+s2], $0x200, $0x38;
	[tilespmem:$0x10200] =	vst v63  }
0x59: {  	_ =	swait.ge [sflag:s3], $0x200  }
0x5a: {  	[sflag:s3] =	ssyncset.done $0x0  }
0x5b: {  	[sflag:s3] =	ssyncadd.s32 $0xFFFFFE00  }
0x5c: {  	[tilespmem:s5], [sflag:$0x1] =	stream.indirect.gather [hbm4b:s4+s5], $0x80, s2, s5, $0xb8;
	[tilespmem:$0x10200] =	vst v63  }
0x5d: {  	_ =	swait.ge [sflag:s6], $0x10000  }
0x5e: {  	s12 =	sshll.u32 s12, $0x4;
	[sflag:s6] =	ssyncset.done $0x0  }
0x5f: {  	s12 =	sadd.s32 s0, s12;
	[sflag:s6] =	ssyncadd.s32 $0xFFFF0000  }
0x60: {  	[hbm4b:s12+s2] =	stream.linear.scatter [tilespmem:s5], [sflag:$0x2], $0x10000, $0x38;
	[tilespmem:$0x10200] =	vst v63  }
0x61: {  	s14 =	sor.u32 $0xE00, s1;
	_ =	swait.ge [sflag:s3], $0x10000  }
0x62: {  	s13 =	sshrl.u32 s14, $0x3;
	[sflag:s3] =	ssyncset.done $0x0  }
0x63: {  	s13 =	sadd.s32 s30, s13;
	[sflag:s3] =	ssyncadd.s32 $0xFFFF0000  }
0x64: {  	[tilespmem:s2], [sflag:$0x2] =	stream.linear.gather [hbm4b:s13+s2], $0x200, $0x38;
	[tilespmem:$0x10200] =	vst v63  }
0x65: {  	_ =	swait.ge [sflag:s3], $0x200  }
0x66: {  	[sflag:s3] =	ssyncset.done $0x0  }
0x67: {  	[sflag:s3] =	ssyncadd.s32 $0xFFFFFE00  }
0x68: {  	[tilespmem:s5], [sflag:$0x1] =	stream.indirect.gather [hbm4b:s4+s5], $0x80, s2, s5, $0xb8;
	[tilespmem:$0x10200] =	vst v63  }
0x69: {  	_ =	swait.ge [sflag:s6], $0x10000  }
0x6a: {  	s14 =	sshll.u32 s14, $0x4;
	[sflag:s6] =	ssyncset.done $0x0  }
0x6b: {  	s14 =	sadd.s32 s0, s14;
	[sflag:s6] =	ssyncadd.s32 $0xFFFF0000  }
0x6c: {  	[hbm4b:s14+s2] =	stream.linear.scatter [tilespmem:s5], [sflag:$0x2], $0x10000, $0x38;
	[tilespmem:$0x10200] =	vst v63  }
0x6d: {  	s16 =	sor.u32 $0x1000, s1;
	_ =	swait.ge [sflag:s3], $0x10000  }
0x6e: {  	s15 =	sshrl.u32 s16, $0x3;
	[sflag:s3] =	ssyncset.done $0x0  }
0x6f: {  	s15 =	sadd.s32 s30, s15;
	[sflag:s3] =	ssyncadd.s32 $0xFFFF0000  }
0x70: {  	[tilespmem:s2], [sflag:$0x2] =	stream.linear.gather [hbm4b:s15+s2], $0x200, $0x38;
	[tilespmem:$0x10200] =	vst v63  }
0x71: {  	_ =	swait.ge [sflag:s3], $0x200  }
0x72: {  	[sflag:s3] =	ssyncset.done $0x0  }
0x73: {  	[sflag:s3] =	ssyncadd.s32 $0xFFFFFE00  }
0x74: {  	[tilespmem:s5], [sflag:$0x1] =	stream.indirect.gather [hbm4b:s4+s5], $0x80, s2, s5, $0xb8;
	[tilespmem:$0x10200] =	vst v63  }
0x75: {  	_ =	swait.ge [sflag:s6], $0x10000  }
0x76: {  	s16 =	sshll.u32 s16, $0x4;
	[sflag:s6] =	ssyncset.done $0x0  }
0x77: {  	s16 =	sadd.s32 s0, s16;
	[sflag:s6] =	ssyncadd.s32 $0xFFFF0000  }
0x78: {  	[hbm4b:s16+s2] =	stream.linear.scatter [tilespmem:s5], [sflag:$0x2], $0x10000, $0x38;
	[tilespmem:$0x10200] =	vst v63  }
0x79: {  	s18 =	sor.u32 $0x1200, s1;
	_ =	swait.ge [sflag:s3], $0x10000  }
0x7a: {  	s17 =	sshrl.u32 s18, $0x3;
	[sflag:s3] =	ssyncset.done $0x0  }
0x7b: {  	s17 =	sadd.s32 s30, s17;
	[sflag:s3] =	ssyncadd.s32 $0xFFFF0000  }
0x7c: {  	[tilespmem:s2], [sflag:$0x2] =	stream.linear.gather [hbm4b:s17+s2], $0x200, $0x38;
	[tilespmem:$0x10200] =	vst v63  }
0x7d: {  	_ =	swait.ge [sflag:s3], $0x200  }
0x7e: {  	[sflag:s3] =	ssyncset.done $0x0  }
0x7f: {  	[sflag:s3] =	ssyncadd.s32 $0xFFFFFE00  }
0x80: {  	[tilespmem:s5], [sflag:$0x1] =	stream.indirect.gather [hbm4b:s4+s5], $0x80, s2, s5, $0xb8;
	[tilespmem:$0x10200] =	vst v63  }
0x81: {  	_ =	swait.ge [sflag:s6], $0x10000  }
0x82: {  	s18 =	sshll.u32 s18, $0x4;
	[sflag:s6] =	ssyncset.done $0x0  }
0x83: {  	s18 =	sadd.s32 s0, s18;
	[sflag:s6] =	ssyncadd.s32 $0xFFFF0000  }
0x84: {  	[hbm4b:s18+s2] =	stream.linear.scatter [tilespmem:s5], [sflag:$0x2], $0x10000, $0x38;
	[tilespmem:$0x10200] =	vst v63  }
0x85: {  	s20 =	sor.u32 $0x1400, s1;
	_ =	swait.ge [sflag:s3], $0x10000  }
0x86: {  	s19 =	sshrl.u32 s20, $0x3;
	[sflag:s3] =	ssyncset.done $0x0  }
0x87: {  	s19 =	sadd.s32 s30, s19;
	[sflag:s3] =	ssyncadd.s32 $0xFFFF0000  }
0x88: {  	[tilespmem:s2], [sflag:$0x2] =	stream.linear.gather [hbm4b:s19+s2], $0x200, $0x38;
	[tilespmem:$0x10200] =	vst v63  }
0x89: {  	_ =	swait.ge [sflag:s3], $0x200  }
0x8a: {  	[sflag:s3] =	ssyncset.done $0x0  }
0x8b: {  	[sflag:s3] =	ssyncadd.s32 $0xFFFFFE00  }
0x8c: {  	[tilespmem:s5], [sflag:$0x1] =	stream.indirect.gather [hbm4b:s4+s5], $0x80, s2, s5, $0xb8;
	[tilespmem:$0x10200] =	vst v63  }
0x8d: {  	_ =	swait.ge [sflag:s6], $0x10000  }
0x8e: {  	s20 =	sshll.u32 s20, $0x4;
	[sflag:s6] =	ssyncset.done $0x0  }
0x8f: {  	s20 =	sadd.s32 s0, s20;
	[sflag:s6] =	ssyncadd.s32 $0xFFFF0000  }
0x90: {  	[hbm4b:s20+s2] =	stream.linear.scatter [tilespmem:s5], [sflag:$0x2], $0x10000, $0x38;
	[tilespmem:$0x10200] =	vst v63  }
0x91: {  	s22 =	sor.u32 $0x1600, s1;
	_ =	swait.ge [sflag:s3], $0x10000  }
0x92: {  	s21 =	sshrl.u32 s22, $0x3;
	[sflag:s3] =	ssyncset.done $0x0  }
0x93: {  	s21 =	sadd.s32 s30, s21;
	[sflag:s3] =	ssyncadd.s32 $0xFFFF0000  }
0x94: {  	[tilespmem:s2], [sflag:$0x2] =	stream.linear.gather [hbm4b:s21+s2], $0x200, $0x38;
	[tilespmem:$0x10200] =	vst v63  }
0x95: {  	_ =	swait.ge [sflag:s3], $0x200  }
0x96: {  	[sflag:s3] =	ssyncset.done $0x0  }
0x97: {  	[sflag:s3] =	ssyncadd.s32 $0xFFFFFE00  }
0x98: {  	[tilespmem:s5], [sflag:$0x1] =	stream.indirect.gather [hbm4b:s4+s5], $0x80, s2, s5, $0xb8;
	[tilespmem:$0x10200] =	vst v63  }
0x99: {  	_ =	swait.ge [sflag:s6], $0x10000  }
0x9a: {  	s22 =	sshll.u32 s22, $0x4;
	[sflag:s6] =	ssyncset.done $0x0  }
0x9b: {  	s22 =	sadd.s32 s0, s22;
	[sflag:s6] =	ssyncadd.s32 $0xFFFF0000  }
0x9c: {  	[hbm4b:s22+s2] =	stream.linear.scatter [tilespmem:s5], [sflag:$0x2], $0x10000, $0x38;
	[tilespmem:$0x10200] =	vst v63  }
0x9d: {  	s24 =	sor.u32 $0x1800, s1;
	_ =	swait.ge [sflag:s3], $0x10000  }
0x9e: {  	s23 =	sshrl.u32 s24, $0x3;
	[sflag:s3] =	ssyncset.done $0x0  }
0x9f: {  	s23 =	sadd.s32 s30, s23;
	[sflag:s3] =	ssyncadd.s32 $0xFFFF0000  }
0xa0: {  	[tilespmem:s2], [sflag:$0x2] =	stream.linear.gather [hbm4b:s23+s2], $0x200, $0x38;
	[tilespmem:$0x10200] =	vst v63  }
0xa1: {  	_ =	swait.ge [sflag:s3], $0x200  }
0xa2: {  	[sflag:s3] =	ssyncset.done $0x0  }
0xa3: {  	[sflag:s3] =	ssyncadd.s32 $0xFFFFFE00  }
0xa4: {  	[tilespmem:s5], [sflag:$0x1] =	stream.indirect.gather [hbm4b:s4+s5], $0x80, s2, s5, $0xb8;
	[tilespmem:$0x10200] =	vst v63  }
0xa5: {  	_ =	swait.ge [sflag:s6], $0x10000  }
0xa6: {  	s24 =	sshll.u32 s24, $0x4;
	[sflag:s6] =	ssyncset.done $0x0  }
0xa7: {  	s24 =	sadd.s32 s0, s24;
	[sflag:s6] =	ssyncadd.s32 $0xFFFF0000  }
0xa8: {  	[hbm4b:s24+s2] =	stream.linear.scatter [tilespmem:s5], [sflag:$0x2], $0x10000, $0x38;
	[tilespmem:$0x10200] =	vst v63  }
0xa9: {  	s26 =	sor.u32 $0x1A00, s1;
	_ =	swait.ge [sflag:s3], $0x10000  }
0xaa: {  	s25 =	sshrl.u32 s26, $0x3;
	[sflag:s3] =	ssyncset.done $0x0  }
0xab: {  	s25 =	sadd.s32 s30, s25;
	[sflag:s3] =	ssyncadd.s32 $0xFFFF0000  }
0xac: {  	[tilespmem:s2], [sflag:$0x2] =	stream.linear.gather [hbm4b:s25+s2], $0x200, $0x38;
	[tilespmem:$0x10200] =	vst v63  }
0xad: {  	_ =	swait.ge [sflag:s3], $0x200  }
0xae: {  	[sflag:s3] =	ssyncset.done $0x0  }
0xaf: {  	[sflag:s3] =	ssyncadd.s32 $0xFFFFFE00  }
0xb0: {  	[tilespmem:s5], [sflag:$0x1] =	stream.indirect.gather [hbm4b:s4+s5], $0x80, s2, s5, $0xb8;
	[tilespmem:$0x10200] =	vst v63  }
0xb1: {  	_ =	swait.ge [sflag:s6], $0x10000  }
0xb2: {  	s26 =	sshll.u32 s26, $0x4;
	[sflag:s6] =	ssyncset.done $0x0  }
0xb3: {  	s26 =	sadd.s32 s0, s26;
	[dreg:$0xa] =	wrdreg s0;
	[sflag:s6] =	ssyncadd.s32 $0xFFFF0000  }
0xb4: {  	[hbm4b:s26+s2] =	stream.linear.scatter [tilespmem:s5], [sflag:$0x2], $0x10000, $0x38;
	[tilespmem:$0x10200] =	vst v63  }
0xb5: {  	s29 =	sor.u32 $0x1C00, s1;
	_ =	swait.ge [sflag:s3], $0x10000  }
0xb6: {  	s28 =	sshrl.u32 s29, $0x3;
	[sflag:s3] =	ssyncset.done $0x0  }
0xb7: {  	s28 =	sadd.s32 s30, s28;
	[sflag:s3] =	ssyncadd.s32 $0xFFFF0000  }
0xb8: {  	[tilespmem:s2], [sflag:$0x2] =	stream.linear.gather [hbm4b:s28+s2], $0x200, $0x38;
	[tilespmem:$0x10200] =	vst v63  }
0xb9: {  	_ =	swait.ge [sflag:s3], $0x200  }
0xba: {  	[sflag:s3] =	ssyncset.done $0x0  }
0xbb: {  	[sflag:s3] =	ssyncadd.s32 $0xFFFFFE00  }
0xbc: {  	[tilespmem:s5], [sflag:$0x1] =	stream.indirect.gather [hbm4b:s4+s5], $0x80, s2, s5, $0xb8;
	[tilespmem:$0x10200] =	vst v63  }
0xbd: {  	_ =	swait.ge [sflag:s6], $0x10000  }
0xbe: {  	s29 =	sshll.u32 s29, $0x4;
	[sflag:s6] =	ssyncset.done $0x0  }
0xbf: {  	s29 =	sadd.s32 s0, s29;
	s1 =	sor.u32 $0x1E00, s1;
	[sflag:s6] =	ssyncadd.s32 $0xFFFF0000  }
0xc0: {  	[hbm4b:s29+s2] =	stream.linear.scatter [tilespmem:s5], [sflag:$0x2], $0x10000, $0x38;
	[tilespmem:$0x10200] =	vst v63  }
0xc1: {  	s0 =	sshrl.u32 s1, $0x3;
	_ =	swait.ge [sflag:s3], $0x10000  }
0xc2: {  	s30 =	sadd.s32 s30, s0;
	s0 =	ssub.s32 $0x2, s31;
	[sflag:s3] =	ssyncset.done $0x0  }
0xc3: {  	s31 =	sshrl.u32 s0, $0x1;
	[sflag:s3] =	ssyncadd.s32 $0xFFFF0000  }
0xc4: {  	[tilespmem:s2], [sflag:$0x2] =	stream.linear.gather [hbm4b:s30+s2], $0x200, $0x38;
	[tilespmem:$0x10200] =	vst v63  }
0xc5: {  	s0 =	ssub.s32 s0, s31;
	_ =	swait.ge [sflag:s3], $0x200  }
0xc6: {  	s0 =	smax.u32 s0, $0x1;
	[sflag:s3] =	ssyncset.done $0x0  }
0xc7: {  	p0 =	sne.s32 s0, $0x1;
	[sflag:s3] =	ssyncadd.s32 $0xFFFFFE00  }
0xc8: {  	[tilespmem:s5], [sflag:$0x1] =	stream.indirect.gather [hbm4b:s4+s5], $0x80, s2, s5, $0xb8;
	[tilespmem:$0x10200] =	vst v63  }
.Ltmp0:
0xc9: {  	_ =	swait.ge [sflag:s6], $0x10000;
	(pc) =	sbr.rel @!p0 .LBB2_2-.Ltmp0, $4  }
0xca: {  	s1 =	sshll.u32 s1, $0x4;
	[sflag:s6] =	ssyncset.done $0x0;
	s31 =	rddreg [dreg:$0xa]  }
0xcb: {  	s31 =	sadd.s32 s31, s1;
	[sflag:s6] =	ssyncadd.s32 $0xFFFF0000  }
0xcc: {  	[hbm4b:s31+s2] =	stream.linear.scatter [tilespmem:s5], [sflag:$0x2], $0x10000, $0x38;
	[tilespmem:$0x10200] =	vst v63  }
0xcd: {  	s0 =	sadd.s32 $0xFFFFFFFF, s0;
	_ =	swait.ge [sflag:s3], $0x10000  }
.LBB2_1:
0xce: {  	[sflag:s3] =	ssyncset.done $0x0  }
0xcf: {  	s1 =	rddreg [dreg:$0x2];
	[sflag:s3] =	ssyncadd.s32 $0xFFFF0000  }
0xd0: {  	[tilespmem:s2], [sflag:$0x2] =	stream.linear.gather [hbm4b:s1+s2], $0x200, $0x38;
	[tilespmem:$0x10200] =	vst v63  }
0xd1: {  	_ =	swait.ge [sflag:s3], $0x200  }
0xd2: {  	[sflag:s3] =	ssyncset.done $0x0  }
0xd3: {  	[sflag:s3] =	ssyncadd.s32 $0xFFFFFE00  }
0xd4: {  	[tilespmem:s5], [sflag:$0x1] =	stream.indirect.gather [hbm4b:s4+s5], $0x80, s2, s5, $0xb8;
	[tilespmem:$0x10200] =	vst v63  }
0xd5: {  	_ =	swait.ge [sflag:s6], $0x10000  }
0xd6: {  	[sflag:s6] =	ssyncset.done $0x0  }
0xd7: {  	s1 =	rddreg [dreg:$0x3];
	[sflag:s6] =	ssyncadd.s32 $0xFFFF0000  }
0xd8: {  	[hbm4b:s1+s2] =	stream.linear.scatter [tilespmem:s5], [sflag:$0x2], $0x10000, $0x38;
	[tilespmem:$0x10200] =	vst v63  }
0xd9: {  	_ =	swait.ge [sflag:s3], $0x10000  }
0xda: {  	[sflag:s3] =	ssyncset.done $0x0  }
0xdb: {  	s1 =	rddreg [dreg:$0x4];
	[sflag:s3] =	ssyncadd.s32 $0xFFFF0000  }
0xdc: {  	[tilespmem:s2], [sflag:$0x2] =	stream.linear.gather [hbm4b:s1+s2], $0x200, $0x38;
	[tilespmem:$0x10200] =	vst v63  }
0xdd: {  	_ =	swait.ge [sflag:s3], $0x200  }
0xde: {  	[sflag:s3] =	ssyncset.done $0x0  }
0xdf: {  	[sflag:s3] =	ssyncadd.s32 $0xFFFFFE00  }
0xe0: {  	[tilespmem:s5], [sflag:$0x1] =	stream.indirect.gather [hbm4b:s4+s5], $0x80, s2, s5, $0xb8;
	[tilespmem:$0x10200] =	vst v63  }
0xe1: {  	_ =	swait.ge [sflag:s6], $0x10000  }
0xe2: {  	[sflag:s6] =	ssyncset.done $0x0  }
0xe3: {  	s1 =	rddreg [dreg:$0x5];
	[sflag:s6] =	ssyncadd.s32 $0xFFFF0000  }
0xe4: {  	[hbm4b:s1+s2] =	stream.linear.scatter [tilespmem:s5], [sflag:$0x2], $0x10000, $0x38;
	[tilespmem:$0x10200] =	vst v63  }
0xe5: {  	_ =	swait.ge [sflag:s3], $0x10000  }
0xe6: {  	[sflag:s3] =	ssyncset.done $0x0  }
0xe7: {  	s1 =	rddreg [dreg:$0x6];
	[sflag:s3] =	ssyncadd.s32 $0xFFFF0000  }
0xe8: {  	[tilespmem:s2], [sflag:$0x2] =	stream.linear.gather [hbm4b:s1+s2], $0x200, $0x38;
	[tilespmem:$0x10200] =	vst v63  }
0xe9: {  	_ =	swait.ge [sflag:s3], $0x200  }
0xea: {  	[sflag:s3] =	ssyncset.done $0x0  }
0xeb: {  	[sflag:s3] =	ssyncadd.s32 $0xFFFFFE00  }
0xec: {  	[tilespmem:s5], [sflag:$0x1] =	stream.indirect.gather [hbm4b:s4+s5], $0x80, s2, s5, $0xb8;
	[tilespmem:$0x10200] =	vst v63  }
0xed: {  	_ =	swait.ge [sflag:s6], $0x10000  }
0xee: {  	[sflag:s6] =	ssyncset.done $0x0  }
0xef: {  	s1 =	rddreg [dreg:$0x7];
	[sflag:s6] =	ssyncadd.s32 $0xFFFF0000  }
0xf0: {  	[hbm4b:s1+s2] =	stream.linear.scatter [tilespmem:s5], [sflag:$0x2], $0x10000, $0x38;
	[tilespmem:$0x10200] =	vst v63  }
0xf1: {  	_ =	swait.ge [sflag:s3], $0x10000  }
0xf2: {  	[sflag:s3] =	ssyncset.done $0x0  }
0xf3: {  	s1 =	rddreg [dreg:$0x8];
	[sflag:s3] =	ssyncadd.s32 $0xFFFF0000  }
0xf4: {  	[tilespmem:s2], [sflag:$0x2] =	stream.linear.gather [hbm4b:s1+s2], $0x200, $0x38;
	[tilespmem:$0x10200] =	vst v63  }
0xf5: {  	_ =	swait.ge [sflag:s3], $0x200  }
0xf6: {  	[sflag:s3] =	ssyncset.done $0x0  }
0xf7: {  	[sflag:s3] =	ssyncadd.s32 $0xFFFFFE00  }
0xf8: {  	[tilespmem:s5], [sflag:$0x1] =	stream.indirect.gather [hbm4b:s4+s5], $0x80, s2, s5, $0xb8;
	[tilespmem:$0x10200] =	vst v63  }
0xf9: {  	_ =	swait.ge [sflag:s6], $0x10000  }
0xfa: {  	[sflag:s6] =	ssyncset.done $0x0  }
0xfb: {  	s1 =	rddreg [dreg:$0x9];
	[sflag:s6] =	ssyncadd.s32 $0xFFFF0000  }
0xfc: {  	[hbm4b:s1+s2] =	stream.linear.scatter [tilespmem:s5], [sflag:$0x2], $0x10000, $0x38;
	[tilespmem:$0x10200] =	vst v63  }
0xfd: {  	_ =	swait.ge [sflag:s3], $0x10000  }
0xfe: {  	[sflag:s3] =	ssyncset.done $0x0  }
0xff: {  	[sflag:s3] =	ssyncadd.s32 $0xFFFF0000  }
0x100: {  	[tilespmem:s2], [sflag:$0x2] =	stream.linear.gather [hbm4b:s7+s2], $0x200, $0x38;
	[tilespmem:$0x10200] =	vst v63  }
0x101: {  	_ =	swait.ge [sflag:s3], $0x200  }
0x102: {  	[sflag:s3] =	ssyncset.done $0x0  }
0x103: {  	[sflag:s3] =	ssyncadd.s32 $0xFFFFFE00  }
0x104: {  	[tilespmem:s5], [sflag:$0x1] =	stream.indirect.gather [hbm4b:s4+s5], $0x80, s2, s5, $0xb8;
	[tilespmem:$0x10200] =	vst v63  }
0x105: {  	_ =	swait.ge [sflag:s6], $0x10000  }
0x106: {  	[sflag:s6] =	ssyncset.done $0x0  }
0x107: {  	[sflag:s6] =	ssyncadd.s32 $0xFFFF0000  }
0x108: {  	[hbm4b:s8+s2] =	stream.linear.scatter [tilespmem:s5], [sflag:$0x2], $0x10000, $0x38;
	[tilespmem:$0x10200] =	vst v63  }
0x109: {  	_ =	swait.ge [sflag:s3], $0x10000  }
0x10a: {  	[sflag:s3] =	ssyncset.done $0x0  }
0x10b: {  	[sflag:s3] =	ssyncadd.s32 $0xFFFF0000  }
0x10c: {  	[tilespmem:s2], [sflag:$0x2] =	stream.linear.gather [hbm4b:s9+s2], $0x200, $0x38;
	[tilespmem:$0x10200] =	vst v63  }
0x10d: {  	_ =	swait.ge [sflag:s3], $0x200  }
0x10e: {  	[sflag:s3] =	ssyncset.done $0x0  }
0x10f: {  	[sflag:s3] =	ssyncadd.s32 $0xFFFFFE00  }
0x110: {  	[tilespmem:s5], [sflag:$0x1] =	stream.indirect.gather [hbm4b:s4+s5], $0x80, s2, s5, $0xb8;
	[tilespmem:$0x10200] =	vst v63  }
0x111: {  	_ =	swait.ge [sflag:s6], $0x10000  }
0x112: {  	[sflag:s6] =	ssyncset.done $0x0  }
0x113: {  	[sflag:s6] =	ssyncadd.s32 $0xFFFF0000  }
0x114: {  	[hbm4b:s10+s2] =	stream.linear.scatter [tilespmem:s5], [sflag:$0x2], $0x10000, $0x38;
	[tilespmem:$0x10200] =	vst v63  }
0x115: {  	_ =	swait.ge [sflag:s3], $0x10000  }
0x116: {  	[sflag:s3] =	ssyncset.done $0x0  }
0x117: {  	[sflag:s3] =	ssyncadd.s32 $0xFFFF0000  }
0x118: {  	[tilespmem:s2], [sflag:$0x2] =	stream.linear.gather [hbm4b:s11+s2], $0x200, $0x38;
	[tilespmem:$0x10200] =	vst v63  }
0x119: {  	_ =	swait.ge [sflag:s3], $0x200  }
0x11a: {  	[sflag:s3] =	ssyncset.done $0x0  }
0x11b: {  	[sflag:s3] =	ssyncadd.s32 $0xFFFFFE00  }
0x11c: {  	[tilespmem:s5], [sflag:$0x1] =	stream.indirect.gather [hbm4b:s4+s5], $0x80, s2, s5, $0xb8;
	[tilespmem:$0x10200] =	vst v63  }
0x11d: {  	_ =	swait.ge [sflag:s6], $0x10000  }
0x11e: {  	[sflag:s6] =	ssyncset.done $0x0  }
0x11f: {  	[sflag:s6] =	ssyncadd.s32 $0xFFFF0000  }
0x120: {  	[hbm4b:s12+s2] =	stream.linear.scatter [tilespmem:s5], [sflag:$0x2], $0x10000, $0x38;
	[tilespmem:$0x10200] =	vst v63  }
0x121: {  	_ =	swait.ge [sflag:s3], $0x10000  }
0x122: {  	[sflag:s3] =	ssyncset.done $0x0  }
0x123: {  	[sflag:s3] =	ssyncadd.s32 $0xFFFF0000  }
0x124: {  	[tilespmem:s2], [sflag:$0x2] =	stream.linear.gather [hbm4b:s13+s2], $0x200, $0x38;
	[tilespmem:$0x10200] =	vst v63  }
0x125: {  	_ =	swait.ge [sflag:s3], $0x200  }
0x126: {  	[sflag:s3] =	ssyncset.done $0x0  }
0x127: {  	[sflag:s3] =	ssyncadd.s32 $0xFFFFFE00  }
0x128: {  	[tilespmem:s5], [sflag:$0x1] =	stream.indirect.gather [hbm4b:s4+s5], $0x80, s2, s5, $0xb8;
	[tilespmem:$0x10200] =	vst v63  }
0x129: {  	_ =	swait.ge [sflag:s6], $0x10000  }
0x12a: {  	[sflag:s6] =	ssyncset.done $0x0  }
0x12b: {  	[sflag:s6] =	ssyncadd.s32 $0xFFFF0000  }
0x12c: {  	[hbm4b:s14+s2] =	stream.linear.scatter [tilespmem:s5], [sflag:$0x2], $0x10000, $0x38;
	[tilespmem:$0x10200] =	vst v63  }
0x12d: {  	_ =	swait.ge [sflag:s3], $0x10000  }
0x12e: {  	[sflag:s3] =	ssyncset.done $0x0  }
0x12f: {  	[sflag:s3] =	ssyncadd.s32 $0xFFFF0000  }
0x130: {  	[tilespmem:s2], [sflag:$0x2] =	stream.linear.gather [hbm4b:s15+s2], $0x200, $0x38;
	[tilespmem:$0x10200] =	vst v63  }
0x131: {  	_ =	swait.ge [sflag:s3], $0x200  }
0x132: {  	[sflag:s3] =	ssyncset.done $0x0  }
0x133: {  	[sflag:s3] =	ssyncadd.s32 $0xFFFFFE00  }
0x134: {  	[tilespmem:s5], [sflag:$0x1] =	stream.indirect.gather [hbm4b:s4+s5], $0x80, s2, s5, $0xb8;
	[tilespmem:$0x10200] =	vst v63  }
0x135: {  	_ =	swait.ge [sflag:s6], $0x10000  }
0x136: {  	[sflag:s6] =	ssyncset.done $0x0  }
0x137: {  	[sflag:s6] =	ssyncadd.s32 $0xFFFF0000  }
0x138: {  	[hbm4b:s16+s2] =	stream.linear.scatter [tilespmem:s5], [sflag:$0x2], $0x10000, $0x38;
	[tilespmem:$0x10200] =	vst v63  }
0x139: {  	_ =	swait.ge [sflag:s3], $0x10000  }
0x13a: {  	[sflag:s3] =	ssyncset.done $0x0  }
0x13b: {  	[sflag:s3] =	ssyncadd.s32 $0xFFFF0000  }
0x13c: {  	[tilespmem:s2], [sflag:$0x2] =	stream.linear.gather [hbm4b:s17+s2], $0x200, $0x38;
	[tilespmem:$0x10200] =	vst v63  }
0x13d: {  	_ =	swait.ge [sflag:s3], $0x200  }
0x13e: {  	[sflag:s3] =	ssyncset.done $0x0  }
0x13f: {  	[sflag:s3] =	ssyncadd.s32 $0xFFFFFE00  }
0x140: {  	[tilespmem:s5], [sflag:$0x1] =	stream.indirect.gather [hbm4b:s4+s5], $0x80, s2, s5, $0xb8;
	[tilespmem:$0x10200] =	vst v63  }
0x141: {  	_ =	swait.ge [sflag:s6], $0x10000  }
0x142: {  	[sflag:s6] =	ssyncset.done $0x0  }
0x143: {  	[sflag:s6] =	ssyncadd.s32 $0xFFFF0000  }
0x144: {  	[hbm4b:s18+s2] =	stream.linear.scatter [tilespmem:s5], [sflag:$0x2], $0x10000, $0x38;
	[tilespmem:$0x10200] =	vst v63  }
0x145: {  	_ =	swait.ge [sflag:s3], $0x10000  }
0x146: {  	[sflag:s3] =	ssyncset.done $0x0  }
0x147: {  	[sflag:s3] =	ssyncadd.s32 $0xFFFF0000  }
0x148: {  	[tilespmem:s2], [sflag:$0x2] =	stream.linear.gather [hbm4b:s19+s2], $0x200, $0x38;
	[tilespmem:$0x10200] =	vst v63  }
0x149: {  	_ =	swait.ge [sflag:s3], $0x200  }
0x14a: {  	[sflag:s3] =	ssyncset.done $0x0  }
0x14b: {  	[sflag:s3] =	ssyncadd.s32 $0xFFFFFE00  }
0x14c: {  	[tilespmem:s5], [sflag:$0x1] =	stream.indirect.gather [hbm4b:s4+s5], $0x80, s2, s5, $0xb8;
	[tilespmem:$0x10200] =	vst v63  }
0x14d: {  	_ =	swait.ge [sflag:s6], $0x10000  }
0x14e: {  	[sflag:s6] =	ssyncset.done $0x0  }
0x14f: {  	[sflag:s6] =	ssyncadd.s32 $0xFFFF0000  }
0x150: {  	[hbm4b:s20+s2] =	stream.linear.scatter [tilespmem:s5], [sflag:$0x2], $0x10000, $0x38;
	[tilespmem:$0x10200] =	vst v63  }
0x151: {  	_ =	swait.ge [sflag:s3], $0x10000  }
0x152: {  	[sflag:s3] =	ssyncset.done $0x0  }
0x153: {  	[sflag:s3] =	ssyncadd.s32 $0xFFFF0000  }
0x154: {  	[tilespmem:s2], [sflag:$0x2] =	stream.linear.gather [hbm4b:s21+s2], $0x200, $0x38;
	[tilespmem:$0x10200] =	vst v63  }
0x155: {  	_ =	swait.ge [sflag:s3], $0x200  }
0x156: {  	[sflag:s3] =	ssyncset.done $0x0  }
0x157: {  	[sflag:s3] =	ssyncadd.s32 $0xFFFFFE00  }
0x158: {  	[tilespmem:s5], [sflag:$0x1] =	stream.indirect.gather [hbm4b:s4+s5], $0x80, s2, s5, $0xb8;
	[tilespmem:$0x10200] =	vst v63  }
0x159: {  	_ =	swait.ge [sflag:s6], $0x10000  }
0x15a: {  	[sflag:s6] =	ssyncset.done $0x0  }
0x15b: {  	[sflag:s6] =	ssyncadd.s32 $0xFFFF0000  }
0x15c: {  	[hbm4b:s22+s2] =	stream.linear.scatter [tilespmem:s5], [sflag:$0x2], $0x10000, $0x38;
	[tilespmem:$0x10200] =	vst v63  }
0x15d: {  	_ =	swait.ge [sflag:s3], $0x10000  }
0x15e: {  	[sflag:s3] =	ssyncset.done $0x0  }
0x15f: {  	[sflag:s3] =	ssyncadd.s32 $0xFFFF0000  }
0x160: {  	[tilespmem:s2], [sflag:$0x2] =	stream.linear.gather [hbm4b:s23+s2], $0x200, $0x38;
	[tilespmem:$0x10200] =	vst v63  }
0x161: {  	_ =	swait.ge [sflag:s3], $0x200  }
0x162: {  	[sflag:s3] =	ssyncset.done $0x0  }
0x163: {  	[sflag:s3] =	ssyncadd.s32 $0xFFFFFE00  }
0x164: {  	[tilespmem:s5], [sflag:$0x1] =	stream.indirect.gather [hbm4b:s4+s5], $0x80, s2, s5, $0xb8;
	[tilespmem:$0x10200] =	vst v63  }
0x165: {  	_ =	swait.ge [sflag:s6], $0x10000  }
0x166: {  	[sflag:s6] =	ssyncset.done $0x0  }
0x167: {  	[sflag:s6] =	ssyncadd.s32 $0xFFFF0000  }
0x168: {  	[hbm4b:s24+s2] =	stream.linear.scatter [tilespmem:s5], [sflag:$0x2], $0x10000, $0x38;
	[tilespmem:$0x10200] =	vst v63  }
0x169: {  	_ =	swait.ge [sflag:s3], $0x10000  }
0x16a: {  	[sflag:s3] =	ssyncset.done $0x0  }
0x16b: {  	[sflag:s3] =	ssyncadd.s32 $0xFFFF0000  }
0x16c: {  	[tilespmem:s2], [sflag:$0x2] =	stream.linear.gather [hbm4b:s25+s2], $0x200, $0x38;
	[tilespmem:$0x10200] =	vst v63  }
0x16d: {  	_ =	swait.ge [sflag:s3], $0x200  }
0x16e: {  	[sflag:s3] =	ssyncset.done $0x0  }
0x16f: {  	[sflag:s3] =	ssyncadd.s32 $0xFFFFFE00  }
0x170: {  	[tilespmem:s5], [sflag:$0x1] =	stream.indirect.gather [hbm4b:s4+s5], $0x80, s2, s5, $0xb8;
	[tilespmem:$0x10200] =	vst v63  }
0x171: {  	_ =	swait.ge [sflag:s6], $0x10000  }
0x172: {  	[sflag:s6] =	ssyncset.done $0x0  }
0x173: {  	[sflag:s6] =	ssyncadd.s32 $0xFFFF0000  }
0x174: {  	[hbm4b:s26+s2] =	stream.linear.scatter [tilespmem:s5], [sflag:$0x2], $0x10000, $0x38;
	[tilespmem:$0x10200] =	vst v63  }
0x175: {  	_ =	swait.ge [sflag:s3], $0x10000  }
0x176: {  	[sflag:s3] =	ssyncset.done $0x0  }
0x177: {  	[sflag:s3] =	ssyncadd.s32 $0xFFFF0000  }
0x178: {  	[tilespmem:s2], [sflag:$0x2] =	stream.linear.gather [hbm4b:s28+s2], $0x200, $0x38;
	[tilespmem:$0x10200] =	vst v63  }
0x179: {  	_ =	swait.ge [sflag:s3], $0x200  }
0x17a: {  	[sflag:s3] =	ssyncset.done $0x0  }
0x17b: {  	[sflag:s3] =	ssyncadd.s32 $0xFFFFFE00  }
0x17c: {  	[tilespmem:s5], [sflag:$0x1] =	stream.indirect.gather [hbm4b:s4+s5], $0x80, s2, s5, $0xb8;
	[tilespmem:$0x10200] =	vst v63  }
0x17d: {  	_ =	swait.ge [sflag:s6], $0x10000  }
0x17e: {  	[sflag:s6] =	ssyncset.done $0x0  }
0x17f: {  	[sflag:s6] =	ssyncadd.s32 $0xFFFF0000  }
0x180: {  	[hbm4b:s29+s2] =	stream.linear.scatter [tilespmem:s5], [sflag:$0x2], $0x10000, $0x38;
	[tilespmem:$0x10200] =	vst v63  }
0x181: {  	_ =	swait.ge [sflag:s3], $0x10000  }
0x182: {  	[sflag:s3] =	ssyncset.done $0x0  }
0x183: {  	[sflag:s3] =	ssyncadd.s32 $0xFFFF0000  }
0x184: {  	[tilespmem:s2], [sflag:$0x2] =	stream.linear.gather [hbm4b:s30+s2], $0x200, $0x38;
	[tilespmem:$0x10200] =	vst v63  }
0x185: {  	_ =	swait.ge [sflag:s3], $0x200  }
0x186: {  	[sflag:s3] =	ssyncset.done $0x0  }
0x187: {  	p0 =	sne.s32 s0, $0x1;
	[sflag:s3] =	ssyncadd.s32 $0xFFFFFE00  }
0x188: {  	[tilespmem:s5], [sflag:$0x1] =	stream.indirect.gather [hbm4b:s4+s5], $0x80, s2, s5, $0xb8;
	[tilespmem:$0x10200] =	vst v63  }
.Ltmp1:
0x189: {  	_ =	swait.ge [sflag:s6], $0x10000;
	(pc) =	sbr.rel @p0 .LBB2_1-.Ltmp1, $4  }
0x18a: {  	[sflag:s6] =	ssyncset.done $0x0  }
0x18b: {  	[sflag:s6] =	ssyncadd.s32 $0xFFFF0000  }
0x18c: {  	[hbm4b:s31+s2] =	stream.linear.scatter [tilespmem:s5], [sflag:$0x2], $0x10000, $0x38;
	[tilespmem:$0x10200] =	vst v63  }
0x18d: {  	s0 =	sadd.s32 $0xFFFFFFFF, s0;
	_ =	swait.ge [sflag:s3], $0x10000  }
.LBB2_2:
0x18e: {  	[sflag:s3] =	ssyncset.done $0x0  }
0x18f: {  	[sflag:s3] =	ssyncadd.s32 $0xFFFF0000  }
0x190: {  	_ =	sfence.sel $0x180000  }
0x191: {  	[bflag:$0x0] =	sbarrier.arrive $0xFFFF  }
0x192: {  	_ =	strace $0x9000004A  }
0x193: {  	s0 =	stileid.u32;
	[bflag:$0x2] =	sbarrier.arrive $0xFFFF  }
0x194: {  	p0 =	sne.s32 s0, $0x0;
	s0 =	rddreg [dreg:$0x1]  }
0x195: {  	s0 =	sadd.s32 @!p0 $0x100000, s0  }
0x196: {  	[sflag:s0] =	ssyncadd.tile.s32 @!p0 $0x1;
	_ =	shalt  }
.Lfunc_end2:
_tile_overlayer_lowered:
.L_overlay_start_2:
0x197: {  	(tag) =	ssettag $0x2  }
0x198: {  	s0 =	rddreg [dreg:$0x0];
	s2 =	stileid.u32  }
0x199: {  	s1 =	rddreg [dreg:$0x1];
	p0 =	sne.s32 s2, $0x0  }
0x19a: {  	s3 =	rddreg [dreg:$0x2];
	[bflag:$0x3] =	sbarrier.arrive $0xFFFF;
	s2 =	simm.s32 @!p0 $0x1C02  }
0x19b: {  	[timem:s3], [sflag:s2] =	dma.local @!p0 [hbm:s0], s1  }
0x19c: {  	s0 =	simm.s32 @!p0 $0x2  }
0x19d: {  	_ =	swait.ge @!p0 [sflag:s0], s1  }
0x19e: {  	s1 =	ssub.s32 @!p0 $0x0, s1;
	[sflag:s0] =	ssyncset.done @!p0 $0x0  }
0x19f: {  	[sflag:s0] =	ssyncadd.s32 @!p0 s1  }
0x1a0: {  	[bflag:$0x3] =	sbarrier.arrive $0xFFFF  }
0x1a1: {  	_ =	shalt  }

</sc_bundles>
